<compile_context>
chip_gen: v7x
topology: tpu7x:2x2x1
jax: 0.10.2.dev20260603
libtpu: 0.0.44.dev20260713+nightly
codegen_flags: <defaults>
</compile_context>

<pallas_src>
import jax
import jax.numpy as jnp
from jax import lax
from jax.experimental import pallas as pl
from jax.experimental.pallas import tpu as pltpu
from jax.experimental.pallas import tpu_sc as plsc

_VOCAB = 1000000
_EMBED = 64
_BATCH = 16384
_X_MAX = 100.0
_ALPHA = 0.75

_NC = 2
_NS = 16
_NW = _NC * _NS
_BPW = _BATCH // _NW
_L = 16

_LN2 = 0.6931471805599453
_LOG_XMAX = 4.605170185988092


def _vlog(v):
    bits = plsc.bitcast(v, jnp.int32)
    e = ((bits >> 23) & 0xFF) - 127
    m = plsc.bitcast((bits & 0x7FFFFF) | 0x3F800000, jnp.float32)
    big = m > 1.4142135623730951
    m = jnp.where(big, m * 0.5, m)
    ef = (e + jnp.where(big, 1, 0)).astype(jnp.float32)
    z = (m - 1.0) / (m + 1.0)
    z2 = z * z
    s = 1.0 + z2 * ((1.0 / 3.0) + z2 * ((1.0 / 5.0) + z2 * ((1.0 / 7.0) + z2 * (1.0 / 9.0))))
    return ef * _LN2 + 2.0 * z * s


def _glove_sc_body(i_hbm, j_hbm, x_hbm, w_hbm, wt_hbm, b_hbm, bt_hbm,
                   part_hbm,
                   idx_i, idx_j, wi, wj, bi, bj, xs, acc_v, sem):
    wid = lax.axis_index("s") * _NC + lax.axis_index("c")
    base = wid * _BPW
    pltpu.sync_copy(i_hbm.at[pl.ds(base, _BPW)], idx_i)
    pltpu.sync_copy(j_hbm.at[pl.ds(base, _BPW)], idx_j)
    pltpu.sync_copy(x_hbm.at[pl.ds(base, _BPW)], xs)
    c1 = pltpu.async_copy(w_hbm.at[idx_i], wi, sem)
    c2 = pltpu.async_copy(wt_hbm.at[idx_j], wj, sem)
    c3 = pltpu.async_copy(b_hbm.at[idx_i], bi, sem)
    c4 = pltpu.async_copy(bt_hbm.at[idx_j], bj, sem)
    c1.wait()
    c2.wait()
    c3.wait()
    c4.wait()

    iot = lax.iota(jnp.int32, 16)
    zero16 = jnp.zeros((16,), jnp.int32)

    def blk(t, acc):
        r0 = t * _L
        rid = r0 + iot
        dots = jnp.zeros((_L,), jnp.float32)
        for d in range(_EMBED):
            dv = jnp.full((_L,), d, jnp.int32)
            vi = plsc.load_gather(wi, [rid, dv])
            vj = plsc.load_gather(wj, [rid, dv])
            dots = dots + vi * vj
        biv = plsc.load_gather(bi, [rid, zero16])
        bjv = plsc.load_gather(bj, [rid, zero16])
        xv = xs[pl.ds(r0, _L)]
        lx = _vlog(xv)
        wf = jnp.minimum(jnp.exp(_ALPHA * (lx - _LOG_XMAX)), 1.0)
        diff = dots + biv + bjv - lx
        return acc + wf * diff * diff

    acc = lax.fori_loop(0, _BPW // _L, blk, jnp.zeros((_L,), jnp.float32))
    acc_v[...] = acc
    pltpu.sync_copy(acc_v, part_hbm.at[wid])


def _finish_body(p_ref, o_ref):
    o_ref[...] = jnp.reshape(jnp.sum(p_ref[...]) * (1.0 / _BATCH), (1, 1))


@jax.jit
def _glove(i, j, x, w, wt, b, bt):
    mesh = plsc.VectorSubcoreMesh(core_axis_name="c", subcore_axis_name="s")
    kern = pl.kernel(
        _glove_sc_body,
        out_type=jax.ShapeDtypeStruct((_NW, _L), jnp.float32),
        mesh=mesh,
        compiler_params=pltpu.CompilerParams(
            needs_layout_passes=False, use_tc_tiling_on_sc=False),
        scratch_types=[
            pltpu.VMEM((_BPW,), jnp.int32),
            pltpu.VMEM((_BPW,), jnp.int32),
            pltpu.VMEM((_BPW, _EMBED), jnp.float32),
            pltpu.VMEM((_BPW, _EMBED), jnp.float32),
            pltpu.VMEM((_BPW, 1), jnp.float32),
            pltpu.VMEM((_BPW, 1), jnp.float32),
            pltpu.VMEM((_BPW,), jnp.float32),
            pltpu.VMEM((_L,), jnp.float32),
            pltpu.SemaphoreType.DMA,
        ],
    )
    parts = kern(i, j, x, w, wt,
                 b.reshape(_VOCAB, 1), bt.reshape(_VOCAB, 1))
    out = pl.pallas_call(
        _finish_body,
        out_shape=jax.ShapeDtypeStruct((1, 1), jnp.float32),
    )(parts)
    return out[0, 0]


def kernel(i, j, x, W, W_tilde, b, b_tilde):
    return _glove(i.astype(jnp.int32), j.astype(jnp.int32), x,
                  W, W_tilde, b, b_tilde)

# --- scband reference (transcript-rebuilt; emitter-appended) ---
"""Pipeline reference for scband-glo-ve-38568806318118 (READ-ONLY COPY).

The authoritative reference and input builder live on the scoring server;
editing this copy changes nothing except your own understanding.
"""

import jax, jax.numpy as jnp
import numpy as np

VOCAB = 1000000
EMBED = 64
BATCH = 16384
X_MAX = 100.0
ALPHA = 0.75

def setup_inputs(seed: int = 0) -> dict:
    key = jax.random.key(seed)
    k_i, k_j, k_x, k_w, k_wt, k_b, k_bt = jax.random.split(key, 7)
    i = jax.random.randint(k_i, (BATCH,), 0, VOCAB, dtype=jnp.int64) if jax.config.read('jax_enable_x64') else jax.random.randint(k_i, (BATCH,), 0, VOCAB, dtype=jnp.int32)
    j = jax.random.randint(k_j, (BATCH,), 0, VOCAB, dtype=i.dtype)
    # co-occurrence counts must be strictly positive for log(); scale uniform to [1, 100)
    x = jax.random.uniform(k_x, (BATCH,), dtype=jnp.float32, minval=1.0, maxval=100.0)
    W = jax.random.normal(k_w, (VOCAB, EMBED), dtype=jnp.float32)
    W_tilde = jax.random.normal(k_wt, (VOCAB, EMBED), dtype=jnp.float32)
    b = jax.random.normal(k_b, (VOCAB,), dtype=jnp.float32)
    b_tilde = jax.random.normal(k_bt, (VOCAB,), dtype=jnp.float32)
    return {"i": i, "j": j, "x": x, "W": W, "W_tilde": W_tilde, "b": b, "b_tilde": b_tilde}

def reference(i, j, x, W, W_tilde, b, b_tilde):
    # embedding gathers (SparseCore-friendly)
    wi = jnp.take(W, i, axis=0)            # [B, d]
    wj = jnp.take(W_tilde, j, axis=0)      # [B, d]
    bi = jnp.take(b, i, axis=0)            # [B]
    bj = jnp.take(b_tilde, j, axis=0)      # [B]
    dot = jnp.sum(wi * wj, axis=1)         # [B]
    loss = jnp.square(dot + bi + bj - jnp.log(x))
    wf = jnp.clip(jnp.power(x / X_MAX, ALPHA), 0.0, 1.0)
    return jnp.mean(wf * loss)

if __name__ == "__main__":
    import jax
    _d = setup_inputs()
    print(jax.jit(kernel)(*tuple(_d.values())))

</pallas_src>

<mosaic_0001>
#map = affine_map<(d0, d1) -> (0)>
#map1 = affine_map<(d0, d1) -> (0, 0)>
module attributes {stable_mosaic.version = 14 : i64} {
  func.func @_glove_sc_body(%arg0: i32, %arg1: i32, %arg2: memref<16384xi32, #tpu.memory_space<hbm>>, %arg3: memref<16384xi32, #tpu.memory_space<hbm>>, %arg4: memref<16384xf32, #tpu.memory_space<hbm>>, %arg5: memref<1000000x64xf32, #tpu.memory_space<hbm>>, %arg6: memref<1000000x64xf32, #tpu.memory_space<hbm>>, %arg7: memref<1000000x1xf32, #tpu.memory_space<hbm>>, %arg8: memref<1000000x1xf32, #tpu.memory_space<hbm>>, %arg9: memref<32x16xf32, #tpu.memory_space<hbm>>, %arg10: memref<512xi32, #tpu.memory_space<vmem>>, %arg11: memref<512xi32, #tpu.memory_space<vmem>>, %arg12: memref<512x64xf32, #tpu.memory_space<vmem>>, %arg13: memref<512x64xf32, #tpu.memory_space<vmem>>, %arg14: memref<512x1xf32, #tpu.memory_space<vmem>>, %arg15: memref<512x1xf32, #tpu.memory_space<vmem>>, %arg16: memref<512xf32, #tpu.memory_space<vmem>>, %arg17: memref<16xf32, #tpu.memory_space<vmem>>, %arg18: memref<!tpu.dma_semaphore, #tpu.memory_space<semaphore_mem>>) attributes {dimension_semantics = [#tpu.dimension_semantics<core_parallel>, #tpu.dimension_semantics<subcore_parallel>], iteration_bounds = array<i64: 2, 16>, scalar_prefetch = 0 : i64, scratch_operands = 9 : i64, tpu.core_type = #tpu.core_type<sc_vector_subcore>, window_params = [{transform_indices = #map}, {transform_indices = #map}, {transform_indices = #map}, {transform_indices = #map1}, {transform_indices = #map1}, {transform_indices = #map1}, {transform_indices = #map1}, {transform_indices = #map1}]} {
    %mul3A = arith.constant 2 : i32
    %mul3A_0 = arith.muli %arg1, %mul3A : i32
    %add3A = arith.addi %mul3A_0, %arg0 : i32
    %mul3A_1 = arith.constant 512 : i32
    %mul3A_2 = arith.muli %add3A, %mul3A_1 : i32
    "tpu.region"() ({
      %run_scoped3A = tpu.sem_alloc : memref<!tpu.dma_semaphore, #tpu.memory_space<semaphore_mem>>
      %dma_start3A_34 = tpu.memref_slice %arg2[%mul3A_2] : memref<16384xi32, #tpu.memory_space<hbm>> -> memref<512xi32, #tpu.memory_space<hbm>>
      %dma_start3A_35 = tpu.memref_slice %arg2[%mul3A_2] : memref<16384xi32, #tpu.memory_space<hbm>> -> memref<512xi32, #tpu.memory_space<hbm>>
      tpu.enqueue_dma source(%dma_start3A_35 : memref<512xi32, #tpu.memory_space<hbm>>) target(%arg10 : memref<512xi32, #tpu.memory_space<vmem>>) target_semaphore(%run_scoped3A : memref<!tpu.dma_semaphore, #tpu.memory_space<semaphore_mem>>)
      %dma_wait3A_36 = tpu.memref_slice %arg2[%mul3A_2] : memref<16384xi32, #tpu.memory_space<hbm>> -> memref<512xi32, #tpu.memory_space<hbm>>
      %dma_wait3A_37 = tpu.memref_slice %arg2[%mul3A_2] : memref<16384xi32, #tpu.memory_space<hbm>> -> memref<512xi32, #tpu.memory_space<hbm>>
      tpu.wait_dma2 semaphore(%run_scoped3A : memref<!tpu.dma_semaphore, #tpu.memory_space<semaphore_mem>>) src(%dma_wait3A_37 : memref<512xi32, #tpu.memory_space<hbm>>) dst(%arg10 : memref<512xi32, #tpu.memory_space<vmem>>)
      tpu.yield
    }) : () -> ()
    "tpu.region"() ({
      %run_scoped3A = tpu.sem_alloc : memref<!tpu.dma_semaphore, #tpu.memory_space<semaphore_mem>>
      %dma_start3A_34 = tpu.memref_slice %arg3[%mul3A_2] : memref<16384xi32, #tpu.memory_space<hbm>> -> memref<512xi32, #tpu.memory_space<hbm>>
      %dma_start3A_35 = tpu.memref_slice %arg3[%mul3A_2] : memref<16384xi32, #tpu.memory_space<hbm>> -> memref<512xi32, #tpu.memory_space<hbm>>
      tpu.enqueue_dma source(%dma_start3A_35 : memref<512xi32, #tpu.memory_space<hbm>>) target(%arg11 : memref<512xi32, #tpu.memory_space<vmem>>) target_semaphore(%run_scoped3A : memref<!tpu.dma_semaphore, #tpu.memory_space<semaphore_mem>>)
      %dma_wait3A_36 = tpu.memref_slice %arg3[%mul3A_2] : memref<16384xi32, #tpu.memory_space<hbm>> -> memref<512xi32, #tpu.memory_space<hbm>>
      %dma_wait3A_37 = tpu.memref_slice %arg3[%mul3A_2] : memref<16384xi32, #tpu.memory_space<hbm>> -> memref<512xi32, #tpu.memory_space<hbm>>
      tpu.wait_dma2 semaphore(%run_scoped3A : memref<!tpu.dma_semaphore, #tpu.memory_space<semaphore_mem>>) src(%dma_wait3A_37 : memref<512xi32, #tpu.memory_space<hbm>>) dst(%arg11 : memref<512xi32, #tpu.memory_space<vmem>>)
      tpu.yield
    }) : () -> ()
    "tpu.region"() ({
      %run_scoped3A = tpu.sem_alloc : memref<!tpu.dma_semaphore, #tpu.memory_space<semaphore_mem>>
      %dma_start3A_34 = tpu.memref_slice %arg4[%mul3A_2] : memref<16384xf32, #tpu.memory_space<hbm>> -> memref<512xf32, #tpu.memory_space<hbm>>
      %dma_start3A_35 = tpu.memref_slice %arg4[%mul3A_2] : memref<16384xf32, #tpu.memory_space<hbm>> -> memref<512xf32, #tpu.memory_space<hbm>>
      tpu.enqueue_dma source(%dma_start3A_35 : memref<512xf32, #tpu.memory_space<hbm>>) target(%arg16 : memref<512xf32, #tpu.memory_space<vmem>>) target_semaphore(%run_scoped3A : memref<!tpu.dma_semaphore, #tpu.memory_space<semaphore_mem>>)
      %dma_wait3A_36 = tpu.memref_slice %arg4[%mul3A_2] : memref<16384xf32, #tpu.memory_space<hbm>> -> memref<512xf32, #tpu.memory_space<hbm>>
      %dma_wait3A_37 = tpu.memref_slice %arg4[%mul3A_2] : memref<16384xf32, #tpu.memory_space<hbm>> -> memref<512xf32, #tpu.memory_space<hbm>>
      tpu.wait_dma2 semaphore(%run_scoped3A : memref<!tpu.dma_semaphore, #tpu.memory_space<semaphore_mem>>) src(%dma_wait3A_37 : memref<512xf32, #tpu.memory_space<hbm>>) dst(%arg16 : memref<512xf32, #tpu.memory_space<vmem>>)
      tpu.yield
    }) : () -> ()
    %dma_start3A = arith.constant 0 : i32
    %dma_start3A_3 = arith.constant 0 : i32
    %dma_start3A_4 = tpu.memref_slice %arg5[%dma_start3A, %dma_start3A_3] : memref<1000000x64xf32, #tpu.memory_space<hbm>> -> memref<1000000x64xf32, #tpu.memory_space<hbm>>
    tpu.enqueue_indirect_dma source(%dma_start3A_4 : memref<1000000x64xf32, #tpu.memory_space<hbm>>) target(%arg12 : memref<512x64xf32, #tpu.memory_space<vmem>>) offsets(%arg10 : memref<512xi32, #tpu.memory_space<vmem>>) semaphore(%arg18 : memref<!tpu.dma_semaphore, #tpu.memory_space<semaphore_mem>>)
    %dma_start3A_5 = arith.constant 0 : i32
    %dma_start3A_6 = arith.constant 0 : i32
    %dma_start3A_7 = tpu.memref_slice %arg6[%dma_start3A_5, %dma_start3A_6] : memref<1000000x64xf32, #tpu.memory_space<hbm>> -> memref<1000000x64xf32, #tpu.memory_space<hbm>>
    tpu.enqueue_indirect_dma source(%dma_start3A_7 : memref<1000000x64xf32, #tpu.memory_space<hbm>>) target(%arg13 : memref<512x64xf32, #tpu.memory_space<vmem>>) offsets(%arg11 : memref<512xi32, #tpu.memory_space<vmem>>) semaphore(%arg18 : memref<!tpu.dma_semaphore, #tpu.memory_space<semaphore_mem>>)
    %dma_start3A_8 = arith.constant 0 : i32
    %dma_start3A_9 = arith.constant 0 : i32
    %dma_start3A_10 = tpu.memref_slice %arg7[%dma_start3A_8, %dma_start3A_9] : memref<1000000x1xf32, #tpu.memory_space<hbm>> -> memref<1000000x1xf32, #tpu.memory_space<hbm>>
    tpu.enqueue_indirect_dma source(%dma_start3A_10 : memref<1000000x1xf32, #tpu.memory_space<hbm>>) target(%arg14 : memref<512x1xf32, #tpu.memory_space<vmem>>) offsets(%arg10 : memref<512xi32, #tpu.memory_space<vmem>>) semaphore(%arg18 : memref<!tpu.dma_semaphore, #tpu.memory_space<semaphore_mem>>)
    %dma_start3A_11 = arith.constant 0 : i32
    %dma_start3A_12 = arith.constant 0 : i32
    %dma_start3A_13 = tpu.memref_slice %arg8[%dma_start3A_11, %dma_start3A_12] : memref<1000000x1xf32, #tpu.memory_space<hbm>> -> memref<1000000x1xf32, #tpu.memory_space<hbm>>
    tpu.enqueue_indirect_dma source(%dma_start3A_13 : memref<1000000x1xf32, #tpu.memory_space<hbm>>) target(%arg15 : memref<512x1xf32, #tpu.memory_space<vmem>>) offsets(%arg11 : memref<512xi32, #tpu.memory_space<vmem>>) semaphore(%arg18 : memref<!tpu.dma_semaphore, #tpu.memory_space<semaphore_mem>>)
    %dma_wait3A = arith.constant 0 : i32
    %dma_wait3A_14 = arith.constant 0 : i32
    %dma_wait3A_15 = tpu.memref_slice %arg5[%dma_wait3A, %dma_wait3A_14] : memref<1000000x64xf32, #tpu.memory_space<hbm>> -> memref<1000000x64xf32, #tpu.memory_space<hbm>>
    tpu.wait_indirect_dma semaphore(%arg18 : memref<!tpu.dma_semaphore, #tpu.memory_space<semaphore_mem>>) src(%dma_wait3A_15 : memref<1000000x64xf32, #tpu.memory_space<hbm>>) dst(%arg12 : memref<512x64xf32, #tpu.memory_space<vmem>>)
    %dma_wait3A_16 = arith.constant 0 : i32
    %dma_wait3A_17 = arith.constant 0 : i32
    %dma_wait3A_18 = tpu.memref_slice %arg6[%dma_wait3A_16, %dma_wait3A_17] : memref<1000000x64xf32, #tpu.memory_space<hbm>> -> memref<1000000x64xf32, #tpu.memory_space<hbm>>
    tpu.wait_indirect_dma semaphore(%arg18 : memref<!tpu.dma_semaphore, #tpu.memory_space<semaphore_mem>>) src(%dma_wait3A_18 : memref<1000000x64xf32, #tpu.memory_space<hbm>>) dst(%arg13 : memref<512x64xf32, #tpu.memory_space<vmem>>)
    %dma_wait3A_19 = arith.constant 0 : i32
    %dma_wait3A_20 = arith.constant 0 : i32
    %dma_wait3A_21 = tpu.memref_slice %arg7[%dma_wait3A_19, %dma_wait3A_20] : memref<1000000x1xf32, #tpu.memory_space<hbm>> -> memref<1000000x1xf32, #tpu.memory_space<hbm>>
    tpu.wait_indirect_dma semaphore(%arg18 : memref<!tpu.dma_semaphore, #tpu.memory_space<semaphore_mem>>) src(%dma_wait3A_21 : memref<1000000x1xf32, #tpu.memory_space<hbm>>) dst(%arg14 : memref<512x1xf32, #tpu.memory_space<vmem>>)
    %dma_wait3A_22 = arith.constant 0 : i32
    %dma_wait3A_23 = arith.constant 0 : i32
    %dma_wait3A_24 = tpu.memref_slice %arg8[%dma_wait3A_22, %dma_wait3A_23] : memref<1000000x1xf32, #tpu.memory_space<hbm>> -> memref<1000000x1xf32, #tpu.memory_space<hbm>>
    tpu.wait_indirect_dma semaphore(%arg18 : memref<!tpu.dma_semaphore, #tpu.memory_space<semaphore_mem>>) src(%dma_wait3A_24 : memref<1000000x1xf32, #tpu.memory_space<hbm>>) dst(%arg15 : memref<512x1xf32, #tpu.memory_space<vmem>>)
    %iota3A = tpu.iota {dimensions = array<i32: 0>} : vector<16xi32>
    %broadcast_in_dim3A = arith.constant 0 : i32
    %broadcast_in_dim3A_25 = vector.broadcast %broadcast_in_dim3A : i32 to vector<16xi32>
    %broadcast_in_dim3A_26 = arith.constant 0.000000e+00 : f32
    %broadcast_in_dim3A_27 = vector.broadcast %broadcast_in_dim3A_26 : f32 to vector<16xf32>
    %scan3A = arith.constant 0 : i32
    %scan3A_28 = arith.constant 32 : i32
    %scan3A_29 = arith.addi %scan3A, %scan3A_28 : i32
    %scan3A_30 = arith.constant 1 : i32
    %scan3A_31 = scf.for %scan3A_34 = %scan3A to %scan3A_29 step %scan3A_30 iter_args(%scan3A_35 = %broadcast_in_dim3A_27) -> (vector<16xf32>)  : i32 {
      %mul3A_36 = arith.constant 16 : i32
      %mul3A_37 = arith.muli %scan3A_34, %mul3A_36 : i32
      %add3A_38 = vector.broadcast %mul3A_37 : i32 to vector<16xi32>
      %add3A_39 = arith.addi %add3A_38, %iota3A : vector<16xi32>
      %broadcast_in_dim3A_40 = arith.constant 0.000000e+00 : f32
      %broadcast_in_dim3A_41 = vector.broadcast %broadcast_in_dim3A_40 : f32 to vector<16xf32>
      %broadcast_in_dim3A_42 = arith.constant 0 : i32
      %broadcast_in_dim3A_43 = vector.broadcast %broadcast_in_dim3A_42 : i32 to vector<16xi32>
      %gather3A = tpu.vector_load_idx %arg12[%add3A_39, %broadcast_in_dim3A_43] : memref<512x64xf32, #tpu.memory_space<vmem>>[vector<16xi32>, vector<16xi32>], vector<16xf32>,
      %gather3A_44 = tpu.vector_load_idx %arg13[%add3A_39, %broadcast_in_dim3A_43] : memref<512x64xf32, #tpu.memory_space<vmem>>[vector<16xi32>, vector<16xi32>], vector<16xf32>,
      %mul3A_45 = arith.mulf %gather3A, %gather3A_44 : vector<16xf32>
      %add3A_46 = arith.addf %broadcast_in_dim3A_41, %mul3A_45 : vector<16xf32>
      %broadcast_in_dim3A_47 = arith.constant 1 : i32
      %broadcast_in_dim3A_48 = vector.broadcast %broadcast_in_dim3A_47 : i32 to vector<16xi32>
      %gather3A_49 = tpu.vector_load_idx %arg12[%add3A_39, %broadcast_in_dim3A_48] : memref<512x64xf32, #tpu.memory_space<vmem>>[vector<16xi32>, vector<16xi32>], vector<16xf32>,
      %gather3A_50 = tpu.vector_load_idx %arg13[%add3A_39, %broadcast_in_dim3A_48] : memref<512x64xf32, #tpu.memory_space<vmem>>[vector<16xi32>, vector<16xi32>], vector<16xf32>,
      %mul3A_51 = arith.mulf %gather3A_49, %gather3A_50 : vector<16xf32>
      %add3A_52 = arith.addf %add3A_46, %mul3A_51 : vector<16xf32>
      %broadcast_in_dim3A_53 = arith.constant 2 : i32
      %broadcast_in_dim3A_54 = vector.broadcast %broadcast_in_dim3A_53 : i32 to vector<16xi32>
      %gather3A_55 = tpu.vector_load_idx %arg12[%add3A_39, %broadcast_in_dim3A_54] : memref<512x64xf32, #tpu.memory_space<vmem>>[vector<16xi32>, vector<16xi32>], vector<16xf32>,
      %gather3A_56 = tpu.vector_load_idx %arg13[%add3A_39, %broadcast_in_dim3A_54] : memref<512x64xf32, #tpu.memory_space<vmem>>[vector<16xi32>, vector<16xi32>], vector<16xf32>,
      %mul3A_57 = arith.mulf %gather3A_55, %gather3A_56 : vector<16xf32>
      %add3A_58 = arith.addf %add3A_52, %mul3A_57 : vector<16xf32>
      %broadcast_in_dim3A_59 = arith.constant 3 : i32
      %broadcast_in_dim3A_60 = vector.broadcast %broadcast_in_dim3A_59 : i32 to vector<16xi32>
      %gather3A_61 = tpu.vector_load_idx %arg12[%add3A_39, %broadcast_in_dim3A_60] : memref<512x64xf32, #tpu.memory_space<vmem>>[vector<16xi32>, vector<16xi32>], vector<16xf32>,
      %gather3A_62 = tpu.vector_load_idx %arg13[%add3A_39, %broadcast_in_dim3A_60] : memref<512x64xf32, #tpu.memory_space<vmem>>[vector<16xi32>, vector<16xi32>], vector<16xf32>,
      %mul3A_63 = arith.mulf %gather3A_61, %gather3A_62 : vector<16xf32>
      %add3A_64 = arith.addf %add3A_58, %mul3A_63 : vector<16xf32>
      %broadcast_in_dim3A_65 = arith.constant 4 : i32
      %broadcast_in_dim3A_66 = vector.broadcast %broadcast_in_dim3A_65 : i32 to vector<16xi32>
      %gather3A_67 = tpu.vector_load_idx %arg12[%add3A_39, %broadcast_in_dim3A_66] : memref<512x64xf32, #tpu.memory_space<vmem>>[vector<16xi32>, vector<16xi32>], vector<16xf32>,
      %gather3A_68 = tpu.vector_load_idx %arg13[%add3A_39, %broadcast_in_dim3A_66] : memref<512x64xf32, #tpu.memory_space<vmem>>[vector<16xi32>, vector<16xi32>], vector<16xf32>,
      %mul3A_69 = arith.mulf %gather3A_67, %gather3A_68 : vector<16xf32>
      %add3A_70 = arith.addf %add3A_64, %mul3A_69 : vector<16xf32>
      %broadcast_in_dim3A_71 = arith.constant 5 : i32
      %broadcast_in_dim3A_72 = vector.broadcast %broadcast_in_dim3A_71 : i32 to vector<16xi32>
      %gather3A_73 = tpu.vector_load_idx %arg12[%add3A_39, %broadcast_in_dim3A_72] : memref<512x64xf32, #tpu.memory_space<vmem>>[vector<16xi32>, vector<16xi32>], vector<16xf32>,
      %gather3A_74 = tpu.vector_load_idx %arg13[%add3A_39, %broadcast_in_dim3A_72] : memref<512x64xf32, #tpu.memory_space<vmem>>[vector<16xi32>, vector<16xi32>], vector<16xf32>,
      %mul3A_75 = arith.mulf %gather3A_73, %gather3A_74 : vector<16xf32>
      %add3A_76 = arith.addf %add3A_70, %mul3A_75 : vector<16xf32>
      %broadcast_in_dim3A_77 = arith.constant 6 : i32
      %broadcast_in_dim3A_78 = vector.broadcast %broadcast_in_dim3A_77 : i32 to vector<16xi32>
      %gather3A_79 = tpu.vector_load_idx %arg12[%add3A_39, %broadcast_in_dim3A_78] : memref<512x64xf32, #tpu.memory_space<vmem>>[vector<16xi32>, vector<16xi32>], vector<16xf32>,
      %gather3A_80 = tpu.vector_load_idx %arg13[%add3A_39, %broadcast_in_dim3A_78] : memref<512x64xf32, #tpu.memory_space<vmem>>[vector<16xi32>, vector<16xi32>], vector<16xf32>,
      %mul3A_81 = arith.mulf %gather3A_79, %gather3A_80 : vector<16xf32>
      %add3A_82 = arith.addf %add3A_76, %mul3A_81 : vector<16xf32>
      %broadcast_in_dim3A_83 = arith.constant 7 : i32
      %broadcast_in_dim3A_84 = vector.broadcast %broadcast_in_dim3A_83 : i32 to vector<16xi32>
      %gather3A_85 = tpu.vector_load_idx %arg12[%add3A_39, %broadcast_in_dim3A_84] : memref<512x64xf32, #tpu.memory_space<vmem>>[vector<16xi32>, vector<16xi32>], vector<16xf32>,
      %gather3A_86 = tpu.vector_load_idx %arg13[%add3A_39, %broadcast_in_dim3A_84] : memref<512x64xf32, #tpu.memory_space<vmem>>[vector<16xi32>, vector<16xi32>], vector<16xf32>,
      %mul3A_87 = arith.mulf %gather3A_85, %gather3A_86 : vector<16xf32>
      %add3A_88 = arith.addf %add3A_82, %mul3A_87 : vector<16xf32>
      %broadcast_in_dim3A_89 = arith.constant 8 : i32
      %broadcast_in_dim3A_90 = vector.broadcast %broadcast_in_dim3A_89 : i32 to vector<16xi32>
      %gather3A_91 = tpu.vector_load_idx %arg12[%add3A_39, %broadcast_in_dim3A_90] : memref<512x64xf32, #tpu.memory_space<vmem>>[vector<16xi32>, vector<16xi32>], vector<16xf32>,
      %gather3A_92 = tpu.vector_load_idx %arg13[%add3A_39, %broadcast_in_dim3A_90] : memref<512x64xf32, #tpu.memory_space<vmem>>[vector<16xi32>, vector<16xi32>], vector<16xf32>,
      %mul3A_93 = arith.mulf %gather3A_91, %gather3A_92 : vector<16xf32>
      %add3A_94 = arith.addf %add3A_88, %mul3A_93 : vector<16xf32>
      %broadcast_in_dim3A_95 = arith.constant 9 : i32
      %broadcast_in_dim3A_96 = vector.broadcast %broadcast_in_dim3A_95 : i32 to vector<16xi32>
      %gather3A_97 = tpu.vector_load_idx %arg12[%add3A_39, %broadcast_in_dim3A_96] : memref<512x64xf32, #tpu.memory_space<vmem>>[vector<16xi32>, vector<16xi32>], vector<16xf32>,
      %gather3A_98 = tpu.vector_load_idx %arg13[%add3A_39, %broadcast_in_dim3A_96] : memref<512x64xf32, #tpu.memory_space<vmem>>[vector<16xi32>, vector<16xi32>], vector<16xf32>,
      %mul3A_99 = arith.mulf %gather3A_97, %gather3A_98 : vector<16xf32>
      %add3A_100 = arith.addf %add3A_94, %mul3A_99 : vector<16xf32>
      %broadcast_in_dim3A_101 = arith.constant 10 : i32
      %broadcast_in_dim3A_102 = vector.broadcast %broadcast_in_dim3A_101 : i32 to vector<16xi32>
      %gather3A_103 = tpu.vector_load_idx %arg12[%add3A_39, %broadcast_in_dim3A_102] : memref<512x64xf32, #tpu.memory_space<vmem>>[vector<16xi32>, vector<16xi32>], vector<16xf32>,
      %gather3A_104 = tpu.vector_load_idx %arg13[%add3A_39, %broadcast_in_dim3A_102] : memref<512x64xf32, #tpu.memory_space<vmem>>[vector<16xi32>, vector<16xi32>], vector<16xf32>,
      %mul3A_105 = arith.mulf %gather3A_103, %gather3A_104 : vector<16xf32>
      %add3A_106 = arith.addf %add3A_100, %mul3A_105 : vector<16xf32>
      %broadcast_in_dim3A_107 = arith.constant 11 : i32
      %broadcast_in_dim3A_108 = vector.broadcast %broadcast_in_dim3A_107 : i32 to vector<16xi32>
      %gather3A_109 = tpu.vector_load_idx %arg12[%add3A_39, %broadcast_in_dim3A_108] : memref<512x64xf32, #tpu.memory_space<vmem>>[vector<16xi32>, vector<16xi32>], vector<16xf32>,
      %gather3A_110 = tpu.vector_load_idx %arg13[%add3A_39, %broadcast_in_dim3A_108] : memref<512x64xf32, #tpu.memory_space<vmem>>[vector<16xi32>, vector<16xi32>], vector<16xf32>,
      %mul3A_111 = arith.mulf %gather3A_109, %gather3A_110 : vector<16xf32>
      %add3A_112 = arith.addf %add3A_106, %mul3A_111 : vector<16xf32>
      %broadcast_in_dim3A_113 = arith.constant 12 : i32
      %broadcast_in_dim3A_114 = vector.broadcast %broadcast_in_dim3A_113 : i32 to vector<16xi32>
      %gather3A_115 = tpu.vector_load_idx %arg12[%add3A_39, %broadcast_in_dim3A_114] : memref<512x64xf32, #tpu.memory_space<vmem>>[vector<16xi32>, vector<16xi32>], vector<16xf32>,
      %gather3A_116 = tpu.vector_load_idx %arg13[%add3A_39, %broadcast_in_dim3A_114] : memref<512x64xf32, #tpu.memory_space<vmem>>[vector<16xi32>, vector<16xi32>], vector<16xf32>,
      %mul3A_117 = arith.mulf %gather3A_115, %gather3A_116 : vector<16xf32>
      %add3A_118 = arith.addf %add3A_112, %mul3A_117 : vector<16xf32>
      %broadcast_in_dim3A_119 = arith.constant 13 : i32
      %broadcast_in_dim3A_120 = vector.broadcast %broadcast_in_dim3A_119 : i32 to vector<16xi32>
      %gather3A_121 = tpu.vector_load_idx %arg12[%add3A_39, %broadcast_in_dim3A_120] : memref<512x64xf32, #tpu.memory_space<vmem>>[vector<16xi32>, vector<16xi32>], vector<16xf32>,
      %gather3A_122 = tpu.vector_load_idx %arg13[%add3A_39, %broadcast_in_dim3A_120] : memref<512x64xf32, #tpu.memory_space<vmem>>[vector<16xi32>, vector<16xi32>], vector<16xf32>,
      %mul3A_123 = arith.mulf %gather3A_121, %gather3A_122 : vector<16xf32>
      %add3A_124 = arith.addf %add3A_118, %mul3A_123 : vector<16xf32>
      %broadcast_in_dim3A_125 = arith.constant 14 : i32
      %broadcast_in_dim3A_126 = vector.broadcast %broadcast_in_dim3A_125 : i32 to vector<16xi32>
      %gather3A_127 = tpu.vector_load_idx %arg12[%add3A_39, %broadcast_in_dim3A_126] : memref<512x64xf32, #tpu.memory_space<vmem>>[vector<16xi32>, vector<16xi32>], vector<16xf32>,
      %gather3A_128 = tpu.vector_load_idx %arg13[%add3A_39, %broadcast_in_dim3A_126] : memref<512x64xf32, #tpu.memory_space<vmem>>[vector<16xi32>, vector<16xi32>], vector<16xf32>,
      %mul3A_129 = arith.mulf %gather3A_127, %gather3A_128 : vector<16xf32>
      %add3A_130 = arith.addf %add3A_124, %mul3A_129 : vector<16xf32>
      %broadcast_in_dim3A_131 = arith.constant 15 : i32
      %broadcast_in_dim3A_132 = vector.broadcast %broadcast_in_dim3A_131 : i32 to vector<16xi32>
      %gather3A_133 = tpu.vector_load_idx %arg12[%add3A_39, %broadcast_in_dim3A_132] : memref<512x64xf32, #tpu.memory_space<vmem>>[vector<16xi32>, vector<16xi32>], vector<16xf32>,
      %gather3A_134 = tpu.vector_load_idx %arg13[%add3A_39, %broadcast_in_dim3A_132] : memref<512x64xf32, #tpu.memory_space<vmem>>[vector<16xi32>, vector<16xi32>], vector<16xf32>,
      %mul3A_135 = arith.mulf %gather3A_133, %gather3A_134 : vector<16xf32>
      %add3A_136 = arith.addf %add3A_130, %mul3A_135 : vector<16xf32>
      %broadcast_in_dim3A_137 = arith.constant 16 : i32
      %broadcast_in_dim3A_138 = vector.broadcast %broadcast_in_dim3A_137 : i32 to vector<16xi32>
      %gather3A_139 = tpu.vector_load_idx %arg12[%add3A_39, %broadcast_in_dim3A_138] : memref<512x64xf32, #tpu.memory_space<vmem>>[vector<16xi32>, vector<16xi32>], vector<16xf32>,
      %gather3A_140 = tpu.vector_load_idx %arg13[%add3A_39, %broadcast_in_dim3A_138] : memref<512x64xf32, #tpu.memory_space<vmem>>[vector<16xi32>, vector<16xi32>], vector<16xf32>,
      %mul3A_141 = arith.mulf %gather3A_139, %gather3A_140 : vector<16xf32>
      %add3A_142 = arith.addf %add3A_136, %mul3A_141 : vector<16xf32>
      %broadcast_in_dim3A_143 = arith.constant 17 : i32
      %broadcast_in_dim3A_144 = vector.broadcast %broadcast_in_dim3A_143 : i32 to vector<16xi32>
      %gather3A_145 = tpu.vector_load_idx %arg12[%add3A_39, %broadcast_in_dim3A_144] : memref<512x64xf32, #tpu.memory_space<vmem>>[vector<16xi32>, vector<16xi32>], vector<16xf32>,
      %gather3A_146 = tpu.vector_load_idx %arg13[%add3A_39, %broadcast_in_dim3A_144] : memref<512x64xf32, #tpu.memory_space<vmem>>[vector<16xi32>, vector<16xi32>], vector<16xf32>,
      %mul3A_147 = arith.mulf %gather3A_145, %gather3A_146 : vector<16xf32>
      %add3A_148 = arith.addf %add3A_142, %mul3A_147 : vector<16xf32>
      %broadcast_in_dim3A_149 = arith.constant 18 : i32
      %broadcast_in_dim3A_150 = vector.broadcast %broadcast_in_dim3A_149 : i32 to vector<16xi32>
      %gather3A_151 = tpu.vector_load_idx %arg12[%add3A_39, %broadcast_in_dim3A_150] : memref<512x64xf32, #tpu.memory_space<vmem>>[vector<16xi32>, vector<16xi32>], vector<16xf32>,
      %gather3A_152 = tpu.vector_load_idx %arg13[%add3A_39, %broadcast_in_dim3A_150] : memref<512x64xf32, #tpu.memory_space<vmem>>[vector<16xi32>, vector<16xi32>], vector<16xf32>,
      %mul3A_153 = arith.mulf %gather3A_151, %gather3A_152 : vector<16xf32>
      %add3A_154 = arith.addf %add3A_148, %mul3A_153 : vector<16xf32>
      %broadcast_in_dim3A_155 = arith.constant 19 : i32
      %broadcast_in_dim3A_156 = vector.broadcast %broadcast_in_dim3A_155 : i32 to vector<16xi32>
      %gather3A_157 = tpu.vector_load_idx %arg12[%add3A_39, %broadcast_in_dim3A_156] : memref<512x64xf32, #tpu.memory_space<vmem>>[vector<16xi32>, vector<16xi32>], vector<16xf32>,
      %gather3A_158 = tpu.vector_load_idx %arg13[%add3A_39, %broadcast_in_dim3A_156] : memref<512x64xf32, #tpu.memory_space<vmem>>[vector<16xi32>, vector<16xi32>], vector<16xf32>,
      %mul3A_159 = arith.mulf %gather3A_157, %gather3A_158 : vector<16xf32>
      %add3A_160 = arith.addf %add3A_154, %mul3A_159 : vector<16xf32>
      %broadcast_in_dim3A_161 = arith.constant 20 : i32
      %broadcast_in_dim3A_162 = vector.broadcast %broadcast_in_dim3A_161 : i32 to vector<16xi32>
      %gather3A_163 = tpu.vector_load_idx %arg12[%add3A_39, %broadcast_in_dim3A_162] : memref<512x64xf32, #tpu.memory_space<vmem>>[vector<16xi32>, vector<16xi32>], vector<16xf32>,
      %gather3A_164 = tpu.vector_load_idx %arg13[%add3A_39, %broadcast_in_dim3A_162] : memref<512x64xf32, #tpu.memory_space<vmem>>[vector<16xi32>, vector<16xi32>], vector<16xf32>,
      %mul3A_165 = arith.mulf %gather3A_163, %gather3A_164 : vector<16xf32>
      %add3A_166 = arith.addf %add3A_160, %mul3A_165 : vector<16xf32>
      %broadcast_in_dim3A_167 = arith.constant 21 : i32
      %broadcast_in_dim3A_168 = vector.broadcast %broadcast_in_dim3A_167 : i32 to vector<16xi32>
      %gather3A_169 = tpu.vector_load_idx %arg12[%add3A_39, %broadcast_in_dim3A_168] : memref<512x64xf32, #tpu.memory_space<vmem>>[vector<16xi32>, vector<16xi32>], vector<16xf32>,
      %gather3A_170 = tpu.vector_load_idx %arg13[%add3A_39, %broadcast_in_dim3A_168] : memref<512x64xf32, #tpu.memory_space<vmem>>[vector<16xi32>, vector<16xi32>], vector<16xf32>,
      %mul3A_171 = arith.mulf %gather3A_169, %gather3A_170 : vector<16xf32>
      %add3A_172 = arith.addf %add3A_166, %mul3A_171 : vector<16xf32>
      %broadcast_in_dim3A_173 = arith.constant 22 : i32
      %broadcast_in_dim3A_174 = vector.broadcast %broadcast_in_dim3A_173 : i32 to vector<16xi32>
      %gather3A_175 = tpu.vector_load_idx %arg12[%add3A_39, %broadcast_in_dim3A_174] : memref<512x64xf32, #tpu.memory_space<vmem>>[vector<16xi32>, vector<16xi32>], vector<16xf32>,
      %gather3A_176 = tpu.vector_load_idx %arg13[%add3A_39, %broadcast_in_dim3A_174] : memref<512x64xf32, #tpu.memory_space<vmem>>[vector<16xi32>, vector<16xi32>], vector<16xf32>,
      %mul3A_177 = arith.mulf %gather3A_175, %gather3A_176 : vector<16xf32>
      %add3A_178 = arith.addf %add3A_172, %mul3A_177 : vector<16xf32>
      %broadcast_in_dim3A_179 = arith.constant 23 : i32
      %broadcast_in_dim3A_180 = vector.broadcast %broadcast_in_dim3A_179 : i32 to vector<16xi32>
      %gather3A_181 = tpu.vector_load_idx %arg12[%add3A_39, %broadcast_in_dim3A_180] : memref<512x64xf32, #tpu.memory_space<vmem>>[vector<16xi32>, vector<16xi32>], vector<16xf32>,
      %gather3A_182 = tpu.vector_load_idx %arg13[%add3A_39, %broadcast_in_dim3A_180] : memref<512x64xf32, #tpu.memory_space<vmem>>[vector<16xi32>, vector<16xi32>], vector<16xf32>,
      %mul3A_183 = arith.mulf %gather3A_181, %gather3A_182 : vector<16xf32>
      %add3A_184 = arith.addf %add3A_178, %mul3A_183 : vector<16xf32>
      %broadcast_in_dim3A_185 = arith.constant 24 : i32
      %broadcast_in_dim3A_186 = vector.broadcast %broadcast_in_dim3A_185 : i32 to vector<16xi32>
      %gather3A_187 = tpu.vector_load_idx %arg12[%add3A_39, %broadcast_in_dim3A_186] : memref<512x64xf32, #tpu.memory_space<vmem>>[vector<16xi32>, vector<16xi32>], vector<16xf32>,
      %gather3A_188 = tpu.vector_load_idx %arg13[%add3A_39, %broadcast_in_dim3A_186] : memref<512x64xf32, #tpu.memory_space<vmem>>[vector<16xi32>, vector<16xi32>], vector<16xf32>,
      %mul3A_189 = arith.mulf %gather3A_187, %gather3A_188 : vector<16xf32>
      %add3A_190 = arith.addf %add3A_184, %mul3A_189 : vector<16xf32>
      %broadcast_in_dim3A_191 = arith.constant 25 : i32
      %broadcast_in_dim3A_192 = vector.broadcast %broadcast_in_dim3A_191 : i32 to vector<16xi32>
      %gather3A_193 = tpu.vector_load_idx %arg12[%add3A_39, %broadcast_in_dim3A_192] : memref<512x64xf32, #tpu.memory_space<vmem>>[vector<16xi32>, vector<16xi32>], vector<16xf32>,
      %gather3A_194 = tpu.vector_load_idx %arg13[%add3A_39, %broadcast_in_dim3A_192] : memref<512x64xf32, #tpu.memory_space<vmem>>[vector<16xi32>, vector<16xi32>], vector<16xf32>,
      %mul3A_195 = arith.mulf %gather3A_193, %gather3A_194 : vector<16xf32>
      %add3A_196 = arith.addf %add3A_190, %mul3A_195 : vector<16xf32>
      %broadcast_in_dim3A_197 = arith.constant 26 : i32
      %broadcast_in_dim3A_198 = vector.broadcast %broadcast_in_dim3A_197 : i32 to vector<16xi32>
      %gather3A_199 = tpu.vector_load_idx %arg12[%add3A_39, %broadcast_in_dim3A_198] : memref<512x64xf32, #tpu.memory_space<vmem>>[vector<16xi32>, vector<16xi32>], vector<16xf32>,
      %gather3A_200 = tpu.vector_load_idx %arg13[%add3A_39, %broadcast_in_dim3A_198] : memref<512x64xf32, #tpu.memory_space<vmem>>[vector<16xi32>, vector<16xi32>], vector<16xf32>,
      %mul3A_201 = arith.mulf %gather3A_199, %gather3A_200 : vector<16xf32>
      %add3A_202 = arith.addf %add3A_196, %mul3A_201 : vector<16xf32>
      %broadcast_in_dim3A_203 = arith.constant 27 : i32
      %broadcast_in_dim3A_204 = vector.broadcast %broadcast_in_dim3A_203 : i32 to vector<16xi32>
      %gather3A_205 = tpu.vector_load_idx %arg12[%add3A_39, %broadcast_in_dim3A_204] : memref<512x64xf32, #tpu.memory_space<vmem>>[vector<16xi32>, vector<16xi32>], vector<16xf32>,
      %gather3A_206 = tpu.vector_load_idx %arg13[%add3A_39, %broadcast_in_dim3A_204] : memref<512x64xf32, #tpu.memory_space<vmem>>[vector<16xi32>, vector<16xi32>], vector<16xf32>,
      %mul3A_207 = arith.mulf %gather3A_205, %gather3A_206 : vector<16xf32>
      %add3A_208 = arith.addf %add3A_202, %mul3A_207 : vector<16xf32>
      %broadcast_in_dim3A_209 = arith.constant 28 : i32
      %broadcast_in_dim3A_210 = vector.broadcast %broadcast_in_dim3A_209 : i32 to vector<16xi32>
      %gather3A_211 = tpu.vector_load_idx %arg12[%add3A_39, %broadcast_in_dim3A_210] : memref<512x64xf32, #tpu.memory_space<vmem>>[vector<16xi32>, vector<16xi32>], vector<16xf32>,
      %gather3A_212 = tpu.vector_load_idx %arg13[%add3A_39, %broadcast_in_dim3A_210] : memref<512x64xf32, #tpu.memory_space<vmem>>[vector<16xi32>, vector<16xi32>], vector<16xf32>,
      %mul3A_213 = arith.mulf %gather3A_211, %gather3A_212 : vector<16xf32>
      %add3A_214 = arith.addf %add3A_208, %mul3A_213 : vector<16xf32>
      %broadcast_in_dim3A_215 = arith.constant 29 : i32
      %broadcast_in_dim3A_216 = vector.broadcast %broadcast_in_dim3A_215 : i32 to vector<16xi32>
      %gather3A_217 = tpu.vector_load_idx %arg12[%add3A_39, %broadcast_in_dim3A_216] : memref<512x64xf32, #tpu.memory_space<vmem>>[vector<16xi32>, vector<16xi32>], vector<16xf32>,
      %gather3A_218 = tpu.vector_load_idx %arg13[%add3A_39, %broadcast_in_dim3A_216] : memref<512x64xf32, #tpu.memory_space<vmem>>[vector<16xi32>, vector<16xi32>], vector<16xf32>,
      %mul3A_219 = arith.mulf %gather3A_217, %gather3A_218 : vector<16xf32>
      %add3A_220 = arith.addf %add3A_214, %mul3A_219 : vector<16xf32>
      %broadcast_in_dim3A_221 = arith.constant 30 : i32
      %broadcast_in_dim3A_222 = vector.broadcast %broadcast_in_dim3A_221 : i32 to vector<16xi32>
      %gather3A_223 = tpu.vector_load_idx %arg12[%add3A_39, %broadcast_in_dim3A_222] : memref<512x64xf32, #tpu.memory_space<vmem>>[vector<16xi32>, vector<16xi32>], vector<16xf32>,
      %gather3A_224 = tpu.vector_load_idx %arg13[%add3A_39, %broadcast_in_dim3A_222] : memref<512x64xf32, #tpu.memory_space<vmem>>[vector<16xi32>, vector<16xi32>], vector<16xf32>,
      %mul3A_225 = arith.mulf %gather3A_223, %gather3A_224 : vector<16xf32>
      %add3A_226 = arith.addf %add3A_220, %mul3A_225 : vector<16xf32>
      %broadcast_in_dim3A_227 = arith.constant 31 : i32
      %broadcast_in_dim3A_228 = vector.broadcast %broadcast_in_dim3A_227 : i32 to vector<16xi32>
      %gather3A_229 = tpu.vector_load_idx %arg12[%add3A_39, %broadcast_in_dim3A_228] : memref<512x64xf32, #tpu.memory_space<vmem>>[vector<16xi32>, vector<16xi32>], vector<16xf32>,
      %gather3A_230 = tpu.vector_load_idx %arg13[%add3A_39, %broadcast_in_dim3A_228] : memref<512x64xf32, #tpu.memory_space<vmem>>[vector<16xi32>, vector<16xi32>], vector<16xf32>,
      %mul3A_231 = arith.mulf %gather3A_229, %gather3A_230 : vector<16xf32>
      %add3A_232 = arith.addf %add3A_226, %mul3A_231 : vector<16xf32>
      %broadcast_in_dim3A_233 = arith.constant 32 : i32
      %broadcast_in_dim3A_234 = vector.broadcast %broadcast_in_dim3A_233 : i32 to vector<16xi32>
      %gather3A_235 = tpu.vector_load_idx %arg12[%add3A_39, %broadcast_in_dim3A_234] : memref<512x64xf32, #tpu.memory_space<vmem>>[vector<16xi32>, vector<16xi32>], vector<16xf32>,
      %gather3A_236 = tpu.vector_load_idx %arg13[%add3A_39, %broadcast_in_dim3A_234] : memref<512x64xf32, #tpu.memory_space<vmem>>[vector<16xi32>, vector<16xi32>], vector<16xf32>,
      %mul3A_237 = arith.mulf %gather3A_235, %gather3A_236 : vector<16xf32>
      %add3A_238 = arith.addf %add3A_232, %mul3A_237 : vector<16xf32>
      %broadcast_in_dim3A_239 = arith.constant 33 : i32
      %broadcast_in_dim3A_240 = vector.broadcast %broadcast_in_dim3A_239 : i32 to vector<16xi32>
      %gather3A_241 = tpu.vector_load_idx %arg12[%add3A_39, %broadcast_in_dim3A_240] : memref<512x64xf32, #tpu.memory_space<vmem>>[vector<16xi32>, vector<16xi32>], vector<16xf32>,
      %gather3A_242 = tpu.vector_load_idx %arg13[%add3A_39, %broadcast_in_dim3A_240] : memref<512x64xf32, #tpu.memory_space<vmem>>[vector<16xi32>, vector<16xi32>], vector<16xf32>,
      %mul3A_243 = arith.mulf %gather3A_241, %gather3A_242 : vector<16xf32>
      %add3A_244 = arith.addf %add3A_238, %mul3A_243 : vector<16xf32>
      %broadcast_in_dim3A_245 = arith.constant 34 : i32
      %broadcast_in_dim3A_246 = vector.broadcast %broadcast_in_dim3A_245 : i32 to vector<16xi32>
      %gather3A_247 = tpu.vector_load_idx %arg12[%add3A_39, %broadcast_in_dim3A_246] : memref<512x64xf32, #tpu.memory_space<vmem>>[vector<16xi32>, vector<16xi32>], vector<16xf32>,
      %gather3A_248 = tpu.vector_load_idx %arg13[%add3A_39, %broadcast_in_dim3A_246] : memref<512x64xf32, #tpu.memory_space<vmem>>[vector<16xi32>, vector<16xi32>], vector<16xf32>,
      %mul3A_249 = arith.mulf %gather3A_247, %gather3A_248 : vector<16xf32>
      %add3A_250 = arith.addf %add3A_244, %mul3A_249 : vector<16xf32>
      %broadcast_in_dim3A_251 = arith.constant 35 : i32
      %broadcast_in_dim3A_252 = vector.broadcast %broadcast_in_dim3A_251 : i32 to vector<16xi32>
      %gather3A_253 = tpu.vector_load_idx %arg12[%add3A_39, %broadcast_in_dim3A_252] : memref<512x64xf32, #tpu.memory_space<vmem>>[vector<16xi32>, vector<16xi32>], vector<16xf32>,
      %gather3A_254 = tpu.vector_load_idx %arg13[%add3A_39, %broadcast_in_dim3A_252] : memref<512x64xf32, #tpu.memory_space<vmem>>[vector<16xi32>, vector<16xi32>], vector<16xf32>,
      %mul3A_255 = arith.mulf %gather3A_253, %gather3A_254 : vector<16xf32>
      %add3A_256 = arith.addf %add3A_250, %mul3A_255 : vector<16xf32>
      %broadcast_in_dim3A_257 = arith.constant 36 : i32
      %broadcast_in_dim3A_258 = vector.broadcast %broadcast_in_dim3A_257 : i32 to vector<16xi32>
      %gather3A_259 = tpu.vector_load_idx %arg12[%add3A_39, %broadcast_in_dim3A_258] : memref<512x64xf32, #tpu.memory_space<vmem>>[vector<16xi32>, vector<16xi32>], vector<16xf32>,
      %gather3A_260 = tpu.vector_load_idx %arg13[%add3A_39, %broadcast_in_dim3A_258] : memref<512x64xf32, #tpu.memory_space<vmem>>[vector<16xi32>, vector<16xi32>], vector<16xf32>,
      %mul3A_261 = arith.mulf %gather3A_259, %gather3A_260 : vector<16xf32>
      %add3A_262 = arith.addf %add3A_256, %mul3A_261 : vector<16xf32>
      %broadcast_in_dim3A_263 = arith.constant 37 : i32
      %broadcast_in_dim3A_264 = vector.broadcast %broadcast_in_dim3A_263 : i32 to vector<16xi32>
      %gather3A_265 = tpu.vector_load_idx %arg12[%add3A_39, %broadcast_in_dim3A_264] : memref<512x64xf32, #tpu.memory_space<vmem>>[vector<16xi32>, vector<16xi32>], vector<16xf32>,
      %gather3A_266 = tpu.vector_load_idx %arg13[%add3A_39, %broadcast_in_dim3A_264] : memref<512x64xf32, #tpu.memory_space<vmem>>[vector<16xi32>, vector<16xi32>], vector<16xf32>,
      %mul3A_267 = arith.mulf %gather3A_265, %gather3A_266 : vector<16xf32>
      %add3A_268 = arith.addf %add3A_262, %mul3A_267 : vector<16xf32>
      %broadcast_in_dim3A_269 = arith.constant 38 : i32
      %broadcast_in_dim3A_270 = vector.broadcast %broadcast_in_dim3A_269 : i32 to vector<16xi32>
      %gather3A_271 = tpu.vector_load_idx %arg12[%add3A_39, %broadcast_in_dim3A_270] : memref<512x64xf32, #tpu.memory_space<vmem>>[vector<16xi32>, vector<16xi32>], vector<16xf32>,
      %gather3A_272 = tpu.vector_load_idx %arg13[%add3A_39, %broadcast_in_dim3A_270] : memref<512x64xf32, #tpu.memory_space<vmem>>[vector<16xi32>, vector<16xi32>], vector<16xf32>,
      %mul3A_273 = arith.mulf %gather3A_271, %gather3A_272 : vector<16xf32>
      %add3A_274 = arith.addf %add3A_268, %mul3A_273 : vector<16xf32>
      %broadcast_in_dim3A_275 = arith.constant 39 : i32
      %broadcast_in_dim3A_276 = vector.broadcast %broadcast_in_dim3A_275 : i32 to vector<16xi32>
      %gather3A_277 = tpu.vector_load_idx %arg12[%add3A_39, %broadcast_in_dim3A_276] : memref<512x64xf32, #tpu.memory_space<vmem>>[vector<16xi32>, vector<16xi32>], vector<16xf32>,
      %gather3A_278 = tpu.vector_load_idx %arg13[%add3A_39, %broadcast_in_dim3A_276] : memref<512x64xf32, #tpu.memory_space<vmem>>[vector<16xi32>, vector<16xi32>], vector<16xf32>,
      %mul3A_279 = arith.mulf %gather3A_277, %gather3A_278 : vector<16xf32>
      %add3A_280 = arith.addf %add3A_274, %mul3A_279 : vector<16xf32>
      %broadcast_in_dim3A_281 = arith.constant 40 : i32
      %broadcast_in_dim3A_282 = vector.broadcast %broadcast_in_dim3A_281 : i32 to vector<16xi32>
      %gather3A_283 = tpu.vector_load_idx %arg12[%add3A_39, %broadcast_in_dim3A_282] : memref<512x64xf32, #tpu.memory_space<vmem>>[vector<16xi32>, vector<16xi32>], vector<16xf32>,
      %gather3A_284 = tpu.vector_load_idx %arg13[%add3A_39, %broadcast_in_dim3A_282] : memref<512x64xf32, #tpu.memory_space<vmem>>[vector<16xi32>, vector<16xi32>], vector<16xf32>,
      %mul3A_285 = arith.mulf %gather3A_283, %gather3A_284 : vector<16xf32>
      %add3A_286 = arith.addf %add3A_280, %mul3A_285 : vector<16xf32>
      %broadcast_in_dim3A_287 = arith.constant 41 : i32
      %broadcast_in_dim3A_288 = vector.broadcast %broadcast_in_dim3A_287 : i32 to vector<16xi32>
      %gather3A_289 = tpu.vector_load_idx %arg12[%add3A_39, %broadcast_in_dim3A_288] : memref<512x64xf32, #tpu.memory_space<vmem>>[vector<16xi32>, vector<16xi32>], vector<16xf32>,
      %gather3A_290 = tpu.vector_load_idx %arg13[%add3A_39, %broadcast_in_dim3A_288] : memref<512x64xf32, #tpu.memory_space<vmem>>[vector<16xi32>, vector<16xi32>], vector<16xf32>,
      %mul3A_291 = arith.mulf %gather3A_289, %gather3A_290 : vector<16xf32>
      %add3A_292 = arith.addf %add3A_286, %mul3A_291 : vector<16xf32>
      %broadcast_in_dim3A_293 = arith.constant 42 : i32
      %broadcast_in_dim3A_294 = vector.broadcast %broadcast_in_dim3A_293 : i32 to vector<16xi32>
      %gather3A_295 = tpu.vector_load_idx %arg12[%add3A_39, %broadcast_in_dim3A_294] : memref<512x64xf32, #tpu.memory_space<vmem>>[vector<16xi32>, vector<16xi32>], vector<16xf32>,
      %gather3A_296 = tpu.vector_load_idx %arg13[%add3A_39, %broadcast_in_dim3A_294] : memref<512x64xf32, #tpu.memory_space<vmem>>[vector<16xi32>, vector<16xi32>], vector<16xf32>,
      %mul3A_297 = arith.mulf %gather3A_295, %gather3A_296 : vector<16xf32>
      %add3A_298 = arith.addf %add3A_292, %mul3A_297 : vector<16xf32>
      %broadcast_in_dim3A_299 = arith.constant 43 : i32
      %broadcast_in_dim3A_300 = vector.broadcast %broadcast_in_dim3A_299 : i32 to vector<16xi32>
      %gather3A_301 = tpu.vector_load_idx %arg12[%add3A_39, %broadcast_in_dim3A_300] : memref<512x64xf32, #tpu.memory_space<vmem>>[vector<16xi32>, vector<16xi32>], vector<16xf32>,
      %gather3A_302 = tpu.vector_load_idx %arg13[%add3A_39, %broadcast_in_dim3A_300] : memref<512x64xf32, #tpu.memory_space<vmem>>[vector<16xi32>, vector<16xi32>], vector<16xf32>,
      %mul3A_303 = arith.mulf %gather3A_301, %gather3A_302 : vector<16xf32>
      %add3A_304 = arith.addf %add3A_298, %mul3A_303 : vector<16xf32>
      %broadcast_in_dim3A_305 = arith.constant 44 : i32
      %broadcast_in_dim3A_306 = vector.broadcast %broadcast_in_dim3A_305 : i32 to vector<16xi32>
      %gather3A_307 = tpu.vector_load_idx %arg12[%add3A_39, %broadcast_in_dim3A_306] : memref<512x64xf32, #tpu.memory_space<vmem>>[vector<16xi32>, vector<16xi32>], vector<16xf32>,
      %gather3A_308 = tpu.vector_load_idx %arg13[%add3A_39, %broadcast_in_dim3A_306] : memref<512x64xf32, #tpu.memory_space<vmem>>[vector<16xi32>, vector<16xi32>], vector<16xf32>,
      %mul3A_309 = arith.mulf %gather3A_307, %gather3A_308 : vector<16xf32>
      %add3A_310 = arith.addf %add3A_304, %mul3A_309 : vector<16xf32>
      %broadcast_in_dim3A_311 = arith.constant 45 : i32
      %broadcast_in_dim3A_312 = vector.broadcast %broadcast_in_dim3A_311 : i32 to vector<16xi32>
      %gather3A_313 = tpu.vector_load_idx %arg12[%add3A_39, %broadcast_in_dim3A_312] : memref<512x64xf32, #tpu.memory_space<vmem>>[vector<16xi32>, vector<16xi32>], vector<16xf32>,
      %gather3A_314 = tpu.vector_load_idx %arg13[%add3A_39, %broadcast_in_dim3A_312] : memref<512x64xf32, #tpu.memory_space<vmem>>[vector<16xi32>, vector<16xi32>], vector<16xf32>,
      %mul3A_315 = arith.mulf %gather3A_313, %gather3A_314 : vector<16xf32>
      %add3A_316 = arith.addf %add3A_310, %mul3A_315 : vector<16xf32>
      %broadcast_in_dim3A_317 = arith.constant 46 : i32
      %broadcast_in_dim3A_318 = vector.broadcast %broadcast_in_dim3A_317 : i32 to vector<16xi32>
      %gather3A_319 = tpu.vector_load_idx %arg12[%add3A_39, %broadcast_in_dim3A_318] : memref<512x64xf32, #tpu.memory_space<vmem>>[vector<16xi32>, vector<16xi32>], vector<16xf32>,
      %gather3A_320 = tpu.vector_load_idx %arg13[%add3A_39, %broadcast_in_dim3A_318] : memref<512x64xf32, #tpu.memory_space<vmem>>[vector<16xi32>, vector<16xi32>], vector<16xf32>,
      %mul3A_321 = arith.mulf %gather3A_319, %gather3A_320 : vector<16xf32>
      %add3A_322 = arith.addf %add3A_316, %mul3A_321 : vector<16xf32>
      %broadcast_in_dim3A_323 = arith.constant 47 : i32
      %broadcast_in_dim3A_324 = vector.broadcast %broadcast_in_dim3A_323 : i32 to vector<16xi32>
      %gather3A_325 = tpu.vector_load_idx %arg12[%add3A_39, %broadcast_in_dim3A_324] : memref<512x64xf32, #tpu.memory_space<vmem>>[vector<16xi32>, vector<16xi32>], vector<16xf32>,
      %gather3A_326 = tpu.vector_load_idx %arg13[%add3A_39, %broadcast_in_dim3A_324] : memref<512x64xf32, #tpu.memory_space<vmem>>[vector<16xi32>, vector<16xi32>], vector<16xf32>,
      %mul3A_327 = arith.mulf %gather3A_325, %gather3A_326 : vector<16xf32>
      %add3A_328 = arith.addf %add3A_322, %mul3A_327 : vector<16xf32>
      %broadcast_in_dim3A_329 = arith.constant 48 : i32
      %broadcast_in_dim3A_330 = vector.broadcast %broadcast_in_dim3A_329 : i32 to vector<16xi32>
      %gather3A_331 = tpu.vector_load_idx %arg12[%add3A_39, %broadcast_in_dim3A_330] : memref<512x64xf32, #tpu.memory_space<vmem>>[vector<16xi32>, vector<16xi32>], vector<16xf32>,
      %gather3A_332 = tpu.vector_load_idx %arg13[%add3A_39, %broadcast_in_dim3A_330] : memref<512x64xf32, #tpu.memory_space<vmem>>[vector<16xi32>, vector<16xi32>], vector<16xf32>,
      %mul3A_333 = arith.mulf %gather3A_331, %gather3A_332 : vector<16xf32>
      %add3A_334 = arith.addf %add3A_328, %mul3A_333 : vector<16xf32>
      %broadcast_in_dim3A_335 = arith.constant 49 : i32
      %broadcast_in_dim3A_336 = vector.broadcast %broadcast_in_dim3A_335 : i32 to vector<16xi32>
      %gather3A_337 = tpu.vector_load_idx %arg12[%add3A_39, %broadcast_in_dim3A_336] : memref<512x64xf32, #tpu.memory_space<vmem>>[vector<16xi32>, vector<16xi32>], vector<16xf32>,
      %gather3A_338 = tpu.vector_load_idx %arg13[%add3A_39, %broadcast_in_dim3A_336] : memref<512x64xf32, #tpu.memory_space<vmem>>[vector<16xi32>, vector<16xi32>], vector<16xf32>,
      %mul3A_339 = arith.mulf %gather3A_337, %gather3A_338 : vector<16xf32>
      %add3A_340 = arith.addf %add3A_334, %mul3A_339 : vector<16xf32>
      %broadcast_in_dim3A_341 = arith.constant 50 : i32
      %broadcast_in_dim3A_342 = vector.broadcast %broadcast_in_dim3A_341 : i32 to vector<16xi32>
      %gather3A_343 = tpu.vector_load_idx %arg12[%add3A_39, %broadcast_in_dim3A_342] : memref<512x64xf32, #tpu.memory_space<vmem>>[vector<16xi32>, vector<16xi32>], vector<16xf32>,
      %gather3A_344 = tpu.vector_load_idx %arg13[%add3A_39, %broadcast_in_dim3A_342] : memref<512x64xf32, #tpu.memory_space<vmem>>[vector<16xi32>, vector<16xi32>], vector<16xf32>,
      %mul3A_345 = arith.mulf %gather3A_343, %gather3A_344 : vector<16xf32>
      %add3A_346 = arith.addf %add3A_340, %mul3A_345 : vector<16xf32>
      %broadcast_in_dim3A_347 = arith.constant 51 : i32
      %broadcast_in_dim3A_348 = vector.broadcast %broadcast_in_dim3A_347 : i32 to vector<16xi32>
      %gather3A_349 = tpu.vector_load_idx %arg12[%add3A_39, %broadcast_in_dim3A_348] : memref<512x64xf32, #tpu.memory_space<vmem>>[vector<16xi32>, vector<16xi32>], vector<16xf32>,
      %gather3A_350 = tpu.vector_load_idx %arg13[%add3A_39, %broadcast_in_dim3A_348] : memref<512x64xf32, #tpu.memory_space<vmem>>[vector<16xi32>, vector<16xi32>], vector<16xf32>,
      %mul3A_351 = arith.mulf %gather3A_349, %gather3A_350 : vector<16xf32>
      %add3A_352 = arith.addf %add3A_346, %mul3A_351 : vector<16xf32>
      %broadcast_in_dim3A_353 = arith.constant 52 : i32
      %broadcast_in_dim3A_354 = vector.broadcast %broadcast_in_dim3A_353 : i32 to vector<16xi32>
      %gather3A_355 = tpu.vector_load_idx %arg12[%add3A_39, %broadcast_in_dim3A_354] : memref<512x64xf32, #tpu.memory_space<vmem>>[vector<16xi32>, vector<16xi32>], vector<16xf32>,
      %gather3A_356 = tpu.vector_load_idx %arg13[%add3A_39, %broadcast_in_dim3A_354] : memref<512x64xf32, #tpu.memory_space<vmem>>[vector<16xi32>, vector<16xi32>], vector<16xf32>,
      %mul3A_357 = arith.mulf %gather3A_355, %gather3A_356 : vector<16xf32>
      %add3A_358 = arith.addf %add3A_352, %mul3A_357 : vector<16xf32>
      %broadcast_in_dim3A_359 = arith.constant 53 : i32
      %broadcast_in_dim3A_360 = vector.broadcast %broadcast_in_dim3A_359 : i32 to vector<16xi32>
      %gather3A_361 = tpu.vector_load_idx %arg12[%add3A_39, %broadcast_in_dim3A_360] : memref<512x64xf32, #tpu.memory_space<vmem>>[vector<16xi32>, vector<16xi32>], vector<16xf32>,
      %gather3A_362 = tpu.vector_load_idx %arg13[%add3A_39, %broadcast_in_dim3A_360] : memref<512x64xf32, #tpu.memory_space<vmem>>[vector<16xi32>, vector<16xi32>], vector<16xf32>,
      %mul3A_363 = arith.mulf %gather3A_361, %gather3A_362 : vector<16xf32>
      %add3A_364 = arith.addf %add3A_358, %mul3A_363 : vector<16xf32>
      %broadcast_in_dim3A_365 = arith.constant 54 : i32
      %broadcast_in_dim3A_366 = vector.broadcast %broadcast_in_dim3A_365 : i32 to vector<16xi32>
      %gather3A_367 = tpu.vector_load_idx %arg12[%add3A_39, %broadcast_in_dim3A_366] : memref<512x64xf32, #tpu.memory_space<vmem>>[vector<16xi32>, vector<16xi32>], vector<16xf32>,
      %gather3A_368 = tpu.vector_load_idx %arg13[%add3A_39, %broadcast_in_dim3A_366] : memref<512x64xf32, #tpu.memory_space<vmem>>[vector<16xi32>, vector<16xi32>], vector<16xf32>,
      %mul3A_369 = arith.mulf %gather3A_367, %gather3A_368 : vector<16xf32>
      %add3A_370 = arith.addf %add3A_364, %mul3A_369 : vector<16xf32>
      %broadcast_in_dim3A_371 = arith.constant 55 : i32
      %broadcast_in_dim3A_372 = vector.broadcast %broadcast_in_dim3A_371 : i32 to vector<16xi32>
      %gather3A_373 = tpu.vector_load_idx %arg12[%add3A_39, %broadcast_in_dim3A_372] : memref<512x64xf32, #tpu.memory_space<vmem>>[vector<16xi32>, vector<16xi32>], vector<16xf32>,
      %gather3A_374 = tpu.vector_load_idx %arg13[%add3A_39, %broadcast_in_dim3A_372] : memref<512x64xf32, #tpu.memory_space<vmem>>[vector<16xi32>, vector<16xi32>], vector<16xf32>,
      %mul3A_375 = arith.mulf %gather3A_373, %gather3A_374 : vector<16xf32>
      %add3A_376 = arith.addf %add3A_370, %mul3A_375 : vector<16xf32>
      %broadcast_in_dim3A_377 = arith.constant 56 : i32
      %broadcast_in_dim3A_378 = vector.broadcast %broadcast_in_dim3A_377 : i32 to vector<16xi32>
      %gather3A_379 = tpu.vector_load_idx %arg12[%add3A_39, %broadcast_in_dim3A_378] : memref<512x64xf32, #tpu.memory_space<vmem>>[vector<16xi32>, vector<16xi32>], vector<16xf32>,
      %gather3A_380 = tpu.vector_load_idx %arg13[%add3A_39, %broadcast_in_dim3A_378] : memref<512x64xf32, #tpu.memory_space<vmem>>[vector<16xi32>, vector<16xi32>], vector<16xf32>,
      %mul3A_381 = arith.mulf %gather3A_379, %gather3A_380 : vector<16xf32>
      %add3A_382 = arith.addf %add3A_376, %mul3A_381 : vector<16xf32>
      %broadcast_in_dim3A_383 = arith.constant 57 : i32
      %broadcast_in_dim3A_384 = vector.broadcast %broadcast_in_dim3A_383 : i32 to vector<16xi32>
      %gather3A_385 = tpu.vector_load_idx %arg12[%add3A_39, %broadcast_in_dim3A_384] : memref<512x64xf32, #tpu.memory_space<vmem>>[vector<16xi32>, vector<16xi32>], vector<16xf32>,
      %gather3A_386 = tpu.vector_load_idx %arg13[%add3A_39, %broadcast_in_dim3A_384] : memref<512x64xf32, #tpu.memory_space<vmem>>[vector<16xi32>, vector<16xi32>], vector<16xf32>,
      %mul3A_387 = arith.mulf %gather3A_385, %gather3A_386 : vector<16xf32>
      %add3A_388 = arith.addf %add3A_382, %mul3A_387 : vector<16xf32>
      %broadcast_in_dim3A_389 = arith.constant 58 : i32
      %broadcast_in_dim3A_390 = vector.broadcast %broadcast_in_dim3A_389 : i32 to vector<16xi32>
      %gather3A_391 = tpu.vector_load_idx %arg12[%add3A_39, %broadcast_in_dim3A_390] : memref<512x64xf32, #tpu.memory_space<vmem>>[vector<16xi32>, vector<16xi32>], vector<16xf32>,
      %gather3A_392 = tpu.vector_load_idx %arg13[%add3A_39, %broadcast_in_dim3A_390] : memref<512x64xf32, #tpu.memory_space<vmem>>[vector<16xi32>, vector<16xi32>], vector<16xf32>,
      %mul3A_393 = arith.mulf %gather3A_391, %gather3A_392 : vector<16xf32>
      %add3A_394 = arith.addf %add3A_388, %mul3A_393 : vector<16xf32>
      %broadcast_in_dim3A_395 = arith.constant 59 : i32
      %broadcast_in_dim3A_396 = vector.broadcast %broadcast_in_dim3A_395 : i32 to vector<16xi32>
      %gather3A_397 = tpu.vector_load_idx %arg12[%add3A_39, %broadcast_in_dim3A_396] : memref<512x64xf32, #tpu.memory_space<vmem>>[vector<16xi32>, vector<16xi32>], vector<16xf32>,
      %gather3A_398 = tpu.vector_load_idx %arg13[%add3A_39, %broadcast_in_dim3A_396] : memref<512x64xf32, #tpu.memory_space<vmem>>[vector<16xi32>, vector<16xi32>], vector<16xf32>,
      %mul3A_399 = arith.mulf %gather3A_397, %gather3A_398 : vector<16xf32>
      %add3A_400 = arith.addf %add3A_394, %mul3A_399 : vector<16xf32>
      %broadcast_in_dim3A_401 = arith.constant 60 : i32
      %broadcast_in_dim3A_402 = vector.broadcast %broadcast_in_dim3A_401 : i32 to vector<16xi32>
      %gather3A_403 = tpu.vector_load_idx %arg12[%add3A_39, %broadcast_in_dim3A_402] : memref<512x64xf32, #tpu.memory_space<vmem>>[vector<16xi32>, vector<16xi32>], vector<16xf32>,
      %gather3A_404 = tpu.vector_load_idx %arg13[%add3A_39, %broadcast_in_dim3A_402] : memref<512x64xf32, #tpu.memory_space<vmem>>[vector<16xi32>, vector<16xi32>], vector<16xf32>,
      %mul3A_405 = arith.mulf %gather3A_403, %gather3A_404 : vector<16xf32>
      %add3A_406 = arith.addf %add3A_400, %mul3A_405 : vector<16xf32>
      %broadcast_in_dim3A_407 = arith.constant 61 : i32
      %broadcast_in_dim3A_408 = vector.broadcast %broadcast_in_dim3A_407 : i32 to vector<16xi32>
      %gather3A_409 = tpu.vector_load_idx %arg12[%add3A_39, %broadcast_in_dim3A_408] : memref<512x64xf32, #tpu.memory_space<vmem>>[vector<16xi32>, vector<16xi32>], vector<16xf32>,
      %gather3A_410 = tpu.vector_load_idx %arg13[%add3A_39, %broadcast_in_dim3A_408] : memref<512x64xf32, #tpu.memory_space<vmem>>[vector<16xi32>, vector<16xi32>], vector<16xf32>,
      %mul3A_411 = arith.mulf %gather3A_409, %gather3A_410 : vector<16xf32>
      %add3A_412 = arith.addf %add3A_406, %mul3A_411 : vector<16xf32>
      %broadcast_in_dim3A_413 = arith.constant 62 : i32
      %broadcast_in_dim3A_414 = vector.broadcast %broadcast_in_dim3A_413 : i32 to vector<16xi32>
      %gather3A_415 = tpu.vector_load_idx %arg12[%add3A_39, %broadcast_in_dim3A_414] : memref<512x64xf32, #tpu.memory_space<vmem>>[vector<16xi32>, vector<16xi32>], vector<16xf32>,
      %gather3A_416 = tpu.vector_load_idx %arg13[%add3A_39, %broadcast_in_dim3A_414] : memref<512x64xf32, #tpu.memory_space<vmem>>[vector<16xi32>, vector<16xi32>], vector<16xf32>,
      %mul3A_417 = arith.mulf %gather3A_415, %gather3A_416 : vector<16xf32>
      %add3A_418 = arith.addf %add3A_412, %mul3A_417 : vector<16xf32>
      %broadcast_in_dim3A_419 = arith.constant 63 : i32
      %broadcast_in_dim3A_420 = vector.broadcast %broadcast_in_dim3A_419 : i32 to vector<16xi32>
      %gather3A_421 = tpu.vector_load_idx %arg12[%add3A_39, %broadcast_in_dim3A_420] : memref<512x64xf32, #tpu.memory_space<vmem>>[vector<16xi32>, vector<16xi32>], vector<16xf32>,
      %gather3A_422 = tpu.vector_load_idx %arg13[%add3A_39, %broadcast_in_dim3A_420] : memref<512x64xf32, #tpu.memory_space<vmem>>[vector<16xi32>, vector<16xi32>], vector<16xf32>,
      %mul3A_423 = arith.mulf %gather3A_421, %gather3A_422 : vector<16xf32>
      %add3A_424 = arith.addf %add3A_418, %mul3A_423 : vector<16xf32>
      %gather3A_425 = tpu.vector_load_idx %arg14[%add3A_39, %broadcast_in_dim3A_25] : memref<512x1xf32, #tpu.memory_space<vmem>>[vector<16xi32>, vector<16xi32>], vector<16xf32>,
      %gather3A_426 = tpu.vector_load_idx %arg15[%add3A_39, %broadcast_in_dim3A_25] : memref<512x1xf32, #tpu.memory_space<vmem>>[vector<16xi32>, vector<16xi32>], vector<16xf32>,
      %get3A = arith.index_cast %mul3A_37 : i32 to index
      %get3A_427 = tpu.vector_load %arg16[%get3A] {strides = array<i32>} : memref<512xf32, #tpu.memory_space<vmem>>, vector<16xf32>,
      %bitcast3A = vector.bitcast %get3A_427 : vector<16xf32> to vector<16xi32>
      %shift_right_arithmetic3A = arith.constant 23 : i32
      %shift_right_arithmetic3A_428 = vector.broadcast %shift_right_arithmetic3A : i32 to vector<16xi32>
      %shift_right_arithmetic3A_429 = arith.shrsi %bitcast3A, %shift_right_arithmetic3A_428 : vector<16xi32>
      %and3A = arith.constant 255 : i32
      %and3A_430 = vector.broadcast %and3A : i32 to vector<16xi32>
      %and3A_431 = arith.andi %shift_right_arithmetic3A_429, %and3A_430 : vector<16xi32>
      %sub3A = arith.constant 127 : i32
      %sub3A_432 = vector.broadcast %sub3A : i32 to vector<16xi32>
      %sub3A_433 = arith.subi %and3A_431, %sub3A_432 : vector<16xi32>
      %and3A_434 = arith.constant 8388607 : i32
      %and3A_435 = vector.broadcast %and3A_434 : i32 to vector<16xi32>
      %and3A_436 = arith.andi %bitcast3A, %and3A_435 : vector<16xi32>
      %or3A = arith.constant 1065353216 : i32
      %or3A_437 = vector.broadcast %or3A : i32 to vector<16xi32>
      %or3A_438 = arith.ori %and3A_436, %or3A_437 : vector<16xi32>
      %bitcast3A_439 = vector.bitcast %or3A_438 : vector<16xi32> to vector<16xf32>
      %gt3A = arith.constant 1.41421354 : f32
      %gt3A_440 = vector.broadcast %gt3A : f32 to vector<16xf32>
      %gt3A_441 = arith.cmpf ogt, %bitcast3A_439, %gt3A_440 : vector<16xf32>
      %mul3A_442 = arith.constant 5.000000e-01 : f32
      %mul3A_443 = vector.broadcast %mul3A_442 : f32 to vector<16xf32>
      %mul3A_444 = arith.mulf %bitcast3A_439, %mul3A_443 : vector<16xf32>
      %select_n3A = arith.select %gt3A_441, %mul3A_444, %bitcast3A_439 : vector<16xi1>, vector<16xf32>
      %jit3A = arith.constant 1 : i32
      %jit3A_445 = arith.constant 0 : i32
      %broadcast_in_dim3A_446 = vector.broadcast %jit3A : i32 to vector<16xi32>
      %broadcast_in_dim3A_447 = vector.broadcast %jit3A_445 : i32 to vector<16xi32>
      %select_n3A_448 = arith.select %gt3A_441, %broadcast_in_dim3A_446, %broadcast_in_dim3A_447 : vector<16xi1>, vector<16xi32>
      %add3A_449 = arith.addi %sub3A_433, %select_n3A_448 : vector<16xi32>
      %convert_element_type3A = arith.sitofp %add3A_449 : vector<16xi32> to vector<16xf32>
      %sub3A_450 = arith.constant 1.000000e+00 : f32
      %sub3A_451 = vector.broadcast %sub3A_450 : f32 to vector<16xf32>
      %sub3A_452 = arith.subf %select_n3A, %sub3A_451 : vector<16xf32>
      %add3A_453 = arith.constant 1.000000e+00 : f32
      %add3A_454 = vector.broadcast %add3A_453 : f32 to vector<16xf32>
      %add3A_455 = arith.addf %select_n3A, %add3A_454 : vector<16xf32>
      %div3A = arith.divf %sub3A_452, %add3A_455 : vector<16xf32>
      %mul3A_456 = arith.mulf %div3A, %div3A : vector<16xf32>
      %mul3A_457 = arith.constant 0.111111112 : f32
      %mul3A_458 = vector.broadcast %mul3A_457 : f32 to vector<16xf32>
      %mul3A_459 = arith.mulf %mul3A_456, %mul3A_458 : vector<16xf32>
      %add3A_460 = arith.constant 0.142857149 : f32
      %add3A_461 = vector.broadcast %add3A_460 : f32 to vector<16xf32>
      %add3A_462 = arith.addf %add3A_461, %mul3A_459 : vector<16xf32>
      %mul3A_463 = arith.mulf %mul3A_456, %add3A_462 : vector<16xf32>
      %add3A_464 = arith.constant 2.000000e-01 : f32
      %add3A_465 = vector.broadcast %add3A_464 : f32 to vector<16xf32>
      %add3A_466 = arith.addf %add3A_465, %mul3A_463 : vector<16xf32>
      %mul3A_467 = arith.mulf %mul3A_456, %add3A_466 : vector<16xf32>
      %add3A_468 = arith.constant 0.333333343 : f32
      %add3A_469 = vector.broadcast %add3A_468 : f32 to vector<16xf32>
      %add3A_470 = arith.addf %add3A_469, %mul3A_467 : vector<16xf32>
      %mul3A_471 = arith.mulf %mul3A_456, %add3A_470 : vector<16xf32>
      %add3A_472 = arith.constant 1.000000e+00 : f32
      %add3A_473 = vector.broadcast %add3A_472 : f32 to vector<16xf32>
      %add3A_474 = arith.addf %add3A_473, %mul3A_471 : vector<16xf32>
      %mul3A_475 = arith.constant 0.693147182 : f32
      %mul3A_476 = vector.broadcast %mul3A_475 : f32 to vector<16xf32>
      %mul3A_477 = arith.mulf %convert_element_type3A, %mul3A_476 : vector<16xf32>
      %mul3A_478 = arith.constant 2.000000e+00 : f32
      %mul3A_479 = vector.broadcast %mul3A_478 : f32 to vector<16xf32>
      %mul3A_480 = arith.mulf %mul3A_479, %div3A : vector<16xf32>
      %mul3A_481 = arith.mulf %mul3A_480, %add3A_474 : vector<16xf32>
      %add3A_482 = arith.addf %mul3A_477, %mul3A_481 : vector<16xf32>
      %sub3A_483 = arith.constant 4.60517025 : f32
      %sub3A_484 = vector.broadcast %sub3A_483 : f32 to vector<16xf32>
      %sub3A_485 = arith.subf %add3A_482, %sub3A_484 : vector<16xf32>
      %mul3A_486 = arith.constant 7.500000e-01 : f32
      %mul3A_487 = vector.broadcast %mul3A_486 : f32 to vector<16xf32>
      %mul3A_488 = arith.mulf %mul3A_487, %sub3A_485 : vector<16xf32>
      %exp3A = math.exp %mul3A_488 : vector<16xf32>
      %min3A = arith.constant 1.000000e+00 : f32
      %min3A_489 = vector.broadcast %min3A : f32 to vector<16xf32>
      %min3A_490 = arith.minimumf %exp3A, %min3A_489 : vector<16xf32>
      %add3A_491 = arith.addf %add3A_424, %gather3A_425 : vector<16xf32>
      %add3A_492 = arith.addf %add3A_491, %gather3A_426 : vector<16xf32>
      %sub3A_493 = arith.subf %add3A_492, %add3A_482 : vector<16xf32>
      %mul3A_494 = arith.mulf %min3A_490, %sub3A_493 : vector<16xf32>
      %mul3A_495 = arith.mulf %mul3A_494, %sub3A_493 : vector<16xf32>
      %add3A_496 = arith.addf %scan3A_35, %mul3A_495 : vector<16xf32>
      scf.yield %add3A_496 : vector<16xf32>
    }
    %scan3A_32 = arith.constant 32 : i32
    %swap3A = arith.constant 0 : index
    %swap3A_33 = tpu.vector_load %arg17[%swap3A] {strides = array<i32>} : memref<16xf32, #tpu.memory_space<vmem>>, vector<16xf32>,
    tpu.vector_store %arg17[%swap3A], %scan3A_31 {strides = array<i32>} : memref<16xf32, #tpu.memory_space<vmem>>, vector<16xf32>,
    "tpu.region"() ({
      %run_scoped3A = tpu.sem_alloc : memref<!tpu.dma_semaphore, #tpu.memory_space<semaphore_mem>>
      %dma_start3A_34 = arith.constant 0 : i32
      %dma_start3A_35 = tpu.memref_slice %arg9[%add3A, %dma_start3A_34] : memref<32x16xf32, #tpu.memory_space<hbm>> -> memref<1x16xf32, #tpu.memory_space<hbm>>
      %dma_start3A_36 = tpu.memref_squeeze %dma_start3A_35 : memref<1x16xf32, #tpu.memory_space<hbm>> -> memref<16xf32, #tpu.memory_space<hbm>>
      %dma_start3A_37 = arith.constant 0 : i32
      %dma_start3A_38 = tpu.memref_slice %arg9[%add3A, %dma_start3A_37] : memref<32x16xf32, #tpu.memory_space<hbm>> -> memref<1x16xf32, #tpu.memory_space<hbm>>
      %dma_start3A_39 = tpu.memref_squeeze %dma_start3A_38 : memref<1x16xf32, #tpu.memory_space<hbm>> -> memref<16xf32, #tpu.memory_space<hbm>>
      tpu.enqueue_dma source(%arg17 : memref<16xf32, #tpu.memory_space<vmem>>) target(%dma_start3A_39 : memref<16xf32, #tpu.memory_space<hbm>>) target_semaphore(%run_scoped3A : memref<!tpu.dma_semaphore, #tpu.memory_space<semaphore_mem>>)
      %dma_wait3A_40 = arith.constant 0 : i32
      %dma_wait3A_41 = tpu.memref_slice %arg9[%add3A, %dma_wait3A_40] : memref<32x16xf32, #tpu.memory_space<hbm>> -> memref<1x16xf32, #tpu.memory_space<hbm>>
      %dma_wait3A_42 = tpu.memref_squeeze %dma_wait3A_41 : memref<1x16xf32, #tpu.memory_space<hbm>> -> memref<16xf32, #tpu.memory_space<hbm>>
      %dma_wait3A_43 = arith.constant 0 : i32
      %dma_wait3A_44 = tpu.memref_slice %arg9[%add3A, %dma_wait3A_43] : memref<32x16xf32, #tpu.memory_space<hbm>> -> memref<1x16xf32, #tpu.memory_space<hbm>>
      %dma_wait3A_45 = tpu.memref_squeeze %dma_wait3A_44 : memref<1x16xf32, #tpu.memory_space<hbm>> -> memref<16xf32, #tpu.memory_space<hbm>>
      tpu.wait_dma2 semaphore(%run_scoped3A : memref<!tpu.dma_semaphore, #tpu.memory_space<semaphore_mem>>) src(%arg17 : memref<16xf32, #tpu.memory_space<vmem>>) dst(%dma_wait3A_45 : memref<16xf32, #tpu.memory_space<hbm>>)
      tpu.yield
    }) : () -> ()
    return
  }
}

module attributes {stable_mosaic.version = 14 : i64} {
  func.func @_finish_body(%arg0: memref<32x16xf32, #tpu.memory_space<vmem>>, %arg1: memref<1x1xf32, #tpu.memory_space<vmem>>) attributes {dimension_semantics = [], scalar_prefetch = 0 : i64, scratch_operands = 0 : i64, tpu.core_type = #tpu.core_type<tc>} {
    %get3A = arith.constant 0 : index
    %get3A_0 = arith.constant 0 : index
    %get3A_1 = vector.load %arg0[%get3A, %get3A_0] : memref<32x16xf32, #tpu.memory_space<vmem>>, vector<32x16xf32>
    %reduce_sum3A = vector.shape_cast %get3A_1 : vector<32x16xf32> to vector<1x32x16xf32>
    %reduce_sum3A_2 = arith.constant dense<0.000000e+00> : vector<1xf32>
    %reduce_sum3A_3 = vector.multi_reduction <add>, %reduce_sum3A, %reduce_sum3A_2 [1, 2] : vector<1x32x16xf32> to vector<1xf32>
    %reduce_sum3A_4 = vector.shape_cast %reduce_sum3A_3 : vector<1xf32> to vector<1x1x1xf32>
    %reduce_sum3A_5 = vector.extract %reduce_sum3A_4[0, 0, 0] : f32 from vector<1x1x1xf32>
    %mul3A = arith.constant 6.10351563E-5 : f32
    %mul3A_6 = arith.mulf %reduce_sum3A_5, %mul3A : f32
    %reshape3A = vector.broadcast %mul3A_6 : f32 to vector<1x1xf32>
    %swap3A = arith.constant 0 : index
    %swap3A_7 = arith.constant 0 : index
    %swap3A_8 = vector.load %arg1[%swap3A, %swap3A_7] : memref<1x1xf32, #tpu.memory_space<vmem>>, vector<1x1xf32>
    tpu.vector_store %arg1[%swap3A, %swap3A_7], %reshape3A {strides = array<i32>} : memref<1x1xf32, #tpu.memory_space<vmem>>, vector<1x1xf32>,
    return
  }
}

</mosaic_0001>

<sc_bundles>
// kernel: _glove.4.cloned.1.call-start
scs
__scs_entry_jumppad:
0x0: {  	(pc) =	sbr.rel $0x88, $3  }
0x1: {  	(tag) =	ssettag $0x0;
	lr =	simm.s32 $0x1  }
0x2: {  	[smem:$0x3F9A] =	sst lr;
	_ =	strace $0xD0000000  }
0x3: {  	_ = 	snop  }
0x4: {  	_ = 	snop  }
0x5: {  	_ = 	snop  }
0x6: {  	_ = 	snop  }
0x7: {  	_ = 	snop  }
__scs_overlays_trampoline_lowered:
0x8: {  	[smem:$0x3FA9] =	sst s0  }
0x9: {  	[smem:$0x3FAA] =	sst s1  }
0xa: {  	[smem:$0x3FAB] =	sst s2  }
0xb: {  	[smem:$0x3FAC] =	sst s3  }
0xc: {  	[smem:$0x3FAD] =	sst s4  }
0xd: {  	[smem:$0x3FAE] =	sst s5  }
0xe: {  	[smem:$0x3FAF] =	sst s6  }
0xf: {  	[smem:$0x3FB0] =	sst s7  }
0x10: {  	[smem:$0x3FB1] =	sst s8  }
0x11: {  	[smem:$0x3FB2] =	sst s9;
	s0 =	simm.s32 @!p0 $0x0  }
0x12: {  	s1 =	sld [smem:$0x3F98];
	s0 =	simm.s32 @p0 $0x1  }
0x13: {  	[smem:$0x3FB3] =	sst s0;
	s0 =	simm.s32 @!p1 $0x0  }
0x14: {  	s2 =	sld [smem:$0x3F97];
	s0 =	simm.s32 @p1 $0x1  }
0x15: {  	[smem:$0x3FB4] =	sst s0;
	s0 =	simm.s32 @!p2 $0x0  }
0x16: {  	s3 =	sld [smem:$0x3FDB];
	s0 =	simm.s32 @p2 $0x1  }
0x17: {  	s4 =	simm.s32 $0x1BF5;
	[smem:$0x3FB6] =	sst s0  }
0x18: {  	s0 =	sld [smem:$0x3F99];
	_ =	swait.ge [sflag:s4], $0x0  }
0x19: {  	s7 =	sld [smem:$0x3F9A]  }
0x1a: {  	s8 =	sadd.s32 $0xFFFFE003, lr  }
0x1b: {  	s9 =	sadd.s32 $0xFFFFFEF7, lr;
	s5 =	simm.s32 $0xFFFFFFFF;
	p2 =	slt.u32 s8, $0xFFFFF086  }
0x1c: {  	p1 =	slt.u32 s9, $0xF7A;
	s5 =	simm.s32 @!p2 $0x0  }
0x1d: {  	s5 =	simm.s32 @p1 $0x1;
	p0 =	seq.s32 s7, s2  }
0x1e: {  	s7 =	smul.u32 @!p0 $0xF7A, s2;
	p2 =	seq.s32 @!p0 s5, $0x0  }
0x1f: {  	s9 =	smul.u32 $0xF7A, s1;
	s8 =	simm.s32 @!p0 $0x1BF5;
	p2 =	por !p2, p0  }
0x20: {  	[sflag:s8] =	ssyncset.s32 @!p0 $0xFFFFF086;
	s6 =	sadd.s32 @!p0 s3, s7;
	s7 =	simm.s32 @!p0 $0x108  }
0x21: {  	s3 =	sadd.s32 s3, s9;
	s6 =	sadd.s32 @!p0 $0x88, s6;
	s7 =	simm.s32 @p2 $0x1082  }
0x22: {  	[simem:s7], [sflag:s8] =	dma.local @!p0 [hbm:s6], $0xF7A  }
0x23: {  	s9 =	sor.u32 $0xD0000000, s2;
	s6 =	simm.s32 $0x108;
	_ =	swait.ge @!p0 [sflag:s8], $0x0  }
0x24: {  	s3 =	sadd.s32 $0x88, s3;
	s6 =	simm.s32 @!p1 $0x1082;
	[sflag:s4] =	ssyncset.s32 $0xFFFFF086  }
0x25: {  	[simem:s6], [sflag:s4] =	dma.local [hbm:s3], $0xF7A  }
0x26: {  	[smem:$0x3F9A] =	sst s1;
	(tag) =	ssettag s2;
	_ =	strace s9  }
0x27: {  	s1 =	sld [smem:$0x3FAA]  }
0x28: {  	s2 =	sld [smem:$0x3FAB]  }
0x29: {  	s4 =	sld [smem:$0x3FAD]  }
0x2a: {  	p0 =	seq.s32 s5, $0x0;
	s5 =	sld [smem:$0x3FAE]  }
0x2b: {  	s6 =	sld [smem:$0x3FAF]  }
0x2c: {  	s7 =	sld [smem:$0x3FB0]  }
0x2d: {  	s3 =	simm.s32 $0x108;
	s8 =	sld [smem:$0x3FB1]  }
0x2e: {  	s3 =	simm.s32 @!p0 $0x1082;
	s9 =	sld [smem:$0x3FB2]  }
0x2f: {  	lr =	sadd.s32 s0, s3;
	s0 =	sld [smem:$0x3FA9]  }
0x30: {  	s3 =	sld [smem:$0x3FAC]  }
0x31: {  	[smem:$0x3FB5] =	sst s10  }
0x32: {  	s10 =	sld [smem:$0x3FB3];
	_ =	sdelay $0x3  }
0x33: {  	p0 =	seq.s32 s10, $0x1;
	s10 =	sld [smem:$0x3FB5];
	_ =	sdelay $0x3  }
0x34: {  	[smem:$0x3FB5] =	sst s10  }
0x35: {  	s10 =	sld [smem:$0x3FB4];
	_ =	sdelay $0x3  }
0x36: {  	p1 =	seq.s32 s10, $0x1;
	s10 =	sld [smem:$0x3FB5];
	_ =	sdelay $0x3  }
0x37: {  	[smem:$0x3FB5] =	sst s10  }
0x38: {  	s10 =	sld [smem:$0x3FB6]  }
0x39: {  	_ = 	snop;
	(pc) =	sbr.ind lr, $3  }
0x3a: {  	_ = 	snop  }
0x3b: {  	_ = 	snop  }
0x3c: {  	p2 =	seq.s32 s10, $0x1;
	s10 =	sld [smem:$0x3FB5]  }
0x3d: {  	_ =	shalt  }
0x3e: {  	_ =	shalt  }
0x3f: {  	_ =	shalt  }
0x40: {  	_ =	shalt  }
0x41: {  	_ =	shalt  }
0x42: {  	_ =	shalt  }
0x43: {  	_ =	shalt  }
0x44: {  	_ =	shalt  }
0x45: {  	_ =	shalt  }
0x46: {  	_ =	shalt  }
0x47: {  	_ =	shalt  }
0x48: {  	_ =	shalt  }
0x49: {  	_ =	shalt  }
0x4a: {  	_ =	shalt  }
0x4b: {  	_ =	shalt  }
0x4c: {  	_ =	shalt  }
0x4d: {  	_ =	shalt  }
0x4e: {  	_ =	shalt  }
0x4f: {  	_ =	shalt  }
0x50: {  	_ =	shalt  }
0x51: {  	_ =	shalt  }
0x52: {  	_ =	shalt  }
0x53: {  	_ =	shalt  }
0x54: {  	_ =	shalt  }
0x55: {  	_ =	shalt  }
0x56: {  	_ =	shalt  }
0x57: {  	_ =	shalt  }
0x58: {  	_ =	shalt  }
0x59: {  	_ =	shalt  }
0x5a: {  	_ =	shalt  }
0x5b: {  	_ =	shalt  }
0x5c: {  	_ =	shalt  }
0x5d: {  	_ =	shalt  }
0x5e: {  	_ =	shalt  }
0x5f: {  	_ =	shalt  }
0x60: {  	_ =	shalt  }
0x61: {  	_ =	shalt  }
0x62: {  	_ =	shalt  }
0x63: {  	_ =	shalt  }
0x64: {  	_ =	shalt  }
0x65: {  	_ =	shalt  }
0x66: {  	_ =	shalt  }
0x67: {  	_ =	shalt  }
0x68: {  	_ =	shalt  }
0x69: {  	_ =	shalt  }
0x6a: {  	_ =	shalt  }
0x6b: {  	_ =	shalt  }
0x6c: {  	_ =	shalt  }
0x6d: {  	_ =	shalt  }
0x6e: {  	_ =	shalt  }
0x6f: {  	_ =	shalt  }
0x70: {  	_ =	shalt  }
0x71: {  	_ =	shalt  }
0x72: {  	_ =	shalt  }
0x73: {  	_ =	shalt  }
0x74: {  	_ =	shalt  }
0x75: {  	_ =	shalt  }
0x76: {  	_ =	shalt  }
0x77: {  	_ =	shalt  }
0x78: {  	_ =	shalt  }
0x79: {  	_ =	shalt  }
0x7a: {  	_ =	shalt  }
0x7b: {  	_ =	shalt  }
0x7c: {  	_ =	shalt  }
0x7d: {  	_ =	shalt  }
0x7e: {  	_ =	shalt  }
0x7f: {  	_ =	shalt  }
0x80: {  	_ =	shalt  }
0x81: {  	_ =	shalt  }
0x82: {  	_ =	shalt  }
0x83: {  	_ =	shalt  }
0x84: {  	_ =	shalt  }
0x85: {  	_ =	shalt  }
0x86: {  	_ =	shalt  }
0x87: {  	_ =	shalt  }
.Lfunc_end0:
.L_simem_size_0:
called_computation_lowered:
.L_overlay_start_0:
0x88: {  	s2 =	sld [smem:$0x3FD9]  }
0x89: {  	s3 =	sld [smem:$0x3FFE];
	_ =	sdelay $0x1  }
0x8a: {  	s1 =	srdreg.scid  }
0x8b: {  	s0 =	sand.u32 $0x1, s1  }
0x8c: {  	s17 =	sshll.u32 s0, $0xA;
	s2 =	sadd.s32 s3, s2  }
0x8d: {  	s2 =	sadd.s32 s2, s17  }
0x8e: {  	[smem:$0x3FC1] =	sst s2  }
0x8f: {  	_ = 	snop  }
0x90: {  	s2 =	sld [smem:$0x3FC9]  }
0x91: {  	s18 =	sld [smem:$0x3FC8]  }
0x92: {  	s4 =	sld [smem:$0x3FC7];
	(tm) =	ssettm $0x1  }
0x93: {  	s5 =	sld [smem:$0x3FFB];
	_ =	sdelay $0x3  }
0x94: {  	_ =	strace s5  }
0x95: {  	s5 =	sld [smem:$0x3FFC];
	_ =	sdelay $0x3  }
0x96: {  	_ =	strace s5  }
0x97: {  	s5 =	sld [smem:$0x3FFD];
	_ =	sdelay $0x3  }
0x98: {  	_ =	strace s5  }
0x99: {  	_ =	strace $0x8FFFFFFF  }
0x9a: {  	s19 =	sld [smem:$0x3FDB];
	_ =	sdelay $0x1  }
0x9b: {  	s6 =	simm.s32 $_scs_section_size  }
0x9c: {  	s7 =	simm.s32 $_size__tile_overlayer_lowered;
	s8 =	simm.s32 $_tile_overlayer_lowered  }
0x9d: {  	s22 =	simm.s32 $0x1BFF;
	s21 =	sshll.u32 s8, $0x1;
	s5 =	sadd.s32 s6, s19  }
0x9e: {  	s9 =	simm.s32 $0x0;
	s20 =	sshll.u32 s7, $0x1;
	s7 =	sadd.s32 s21, s5  }
0x9f: {  	[timem:s9], [sflag:s22] =	dma.local [hbm:s7], s20  }
0xa0: {  	_ =	swait.ge [sflag:s22], s20  }
0xa1: {  	s6 =	ssub.s32 $0x0, s20;
	[sflag:s22] =	ssyncset.done $0x0  }
0xa2: {  	[sflag:s22] =	ssyncadd.s32 s6;
	_ =	sdelay $0x1  }
0xa3: {  	s23 =	simm.s32 $0x1B8B  }
0xa4: {  	_ =	swait.ge [sflag:s23], $0x1  }
0xa5: {  	[sflag:s23] =	ssyncset.done $0x0  }
0xa6: {  	s25 =	simm.s32 $0x1B8E;
	s24 =	sld [smem:$0x3FFE];
	[sflag:s23] =	ssyncadd.s32 $0xFFFFFFFF  }
0xa7: {  	s26 =	simm.s32 $execute0_lowered;
	[smem:$0x3FD2] =	sst s25  }
0xa8: {  	s7 =	sshll.u32 s26, $0x1;
	_ =	strace $0x80000046;
	[dreg:$0x1] =	wrdreg $0xFFFFFFFF  }
0xa9: {  	s28 =	simm.s32 $_size_execute0_lowered;
	s5 =	sadd.s32 s5, s7;
	[dreg:$0x0] =	wrdreg $0x0  }
0xaa: {  	s7 =	sshll.u32 s28, $0x1;
	[dreg:$0x2] =	wrdreg s5  }
0xab: {  	[dreg:$0x3] =	wrdreg s7  }
0xac: {  	[dreg:$0x4] =	wrdreg $0xC0  }
0xad: {  	_ =	task [dreg:s9], $0x5FFFF  }
0xae: {  	[dreg:$0x1] =	wrdreg $0xFFFFFFFF  }
0xaf: {  	[dreg:$0x0] =	wrdreg $0x60  }
0xb0: {  	[dreg:$0x2] =	wrdreg s2  }
0xb1: {  	[dreg:$0x3] =	wrdreg s18  }
0xb2: {  	[dreg:$0x4] =	wrdreg s4  }
0xb3: {  	[dreg:$0x5] =	wrdreg s24  }
0xb4: {  	[dreg:$0x6] =	wrdreg $0x9  }
0xb5: {  	_ =	task.clear_ibuf [dreg:s9], $0x7FFFF;
	_ =	strace $0x90000046  }
0xb6: {  	s29 =	simm.s32 $0x9;
	_ =	strace $0x80000048  }
0xb7: {  	_ =	swait.ge [sflag:s29], $0x1  }
0xb8: {  	[sflag:s29] =	ssyncadd.s32 $0xFFFFFFFF  }
0xb9: {  	_ =	strace $0x90000048  }
0xba: {  	_ =	sfence  }
0xbb: {  	s30 =	sld [smem:$0x0];
	_ =	sdelay $0x2  }
0xbc: {  	s31 =	sshll.u32 s1, $0xD;
	s1 =	sshrl.u32 s1, $0x2  }
0xbd: {  	s3 =	sand.u32 $0x4000, s31;
	s1 =	sadd.s32 s1, s30  }
0xbe: {  	s0 =	sor.u32 s3, s0;
	s1 =	sshll.u32 s1, $0x11  }
0xbf: {  	s0 =	sor.u32 s1, s0  }
0xc0: {  	s0 =	sadd.s32 $0x8F2B, s0  }
0xc1: {  	[sflag:s0] =	ssyncadd.remote.s32 $0x1  }
0xc2: {  	_ =	sfence.sel $0xFFFF  }
0xc3: {  	[dreg:$0x0] =	wrdreg $0xFFFFFFFF;
	(pc) =	sbr.abs _section_cstart, $3  }
0xc4: {  	[dreg:$0x1] =	wrdreg $0xFFFFFFFF  }
0xc5: {  	_ =	task.clear_ibuf [dreg:s9], $0x2FFFF;
	_ =	strace $0x9FFFFFFF  }
0xc6: {  	(tm) =	ssettm $0x7FFFFFFF  }
0xc7: {  	_ =	shalt  }
tec
execute0_lowered:
.L_overlay_start_1:
0x0: {  	(tag) =	ssettag $0x1  }
0x1: {  	s7 =	rddreg [dreg:$0x0]  }
0x2: {  	s8 =	rddreg [dreg:$0x1]  }
0x3: {  	s9 =	rddreg [dreg:$0x2]  }
0x4: {  	s10 =	rddreg [dreg:$0x3]  }
0x5: {  	s0 =	rddreg [dreg:$0x4];
	s2 =	simm.s32 $0x0;
	s4 =	srdreg.scid  }
0x6: {  	s1 =	stileid.u32;
	s14 =	simm.s32 $0x400;
	s15 =	simm.s32 $0x8400  }
0x7: {  	s16 =	simm.s32 $0x10400;
	s17 =	simm.s32 $0x11400;
	s18 =	simm.s32 $0x1  }
0x8: {  	s19 =	simm.s32 $0x12600;
	s20 =	simm.s32 $0x0;
	[smem:$0x7FF] =	sst s2  }
0x9: {  	s3 =	sadd.s32 $0x18CC400, s10;
	s11 =	sand.u32 $0x1, s4;
	s4 =	sadd.s32 $0x112B200, s10  }
0xa: {  	s6 =	sshll.u32 s1, $0x1;
	s5 =	sadd.s32 $0xF4A00, s10;
	_ =	strace $0x80000047  }
0xb: {  	s12 =	sor.u32 s11, s6;
	s6 =	sadd.s32 $0x600, s10;
	s11 =	ssub.s32 $0x2, s11  }
0xc: {  	s13 =	sshll.u32 s12, $0x1;
	s31 =	sshrl.u32 s11, $0x1;
	s12 =	sshll.u32 s12, $0x6  }
0xd: {  	s10 =	sadd.s32 s13, s10;
	s11 =	ssub.s32 s11, s31;
	s7 =	sadd.s32 s7, s12  }
0xe: {  	s8 =	sadd.s32 s8, s12;
	s9 =	sadd.s32 s9, s12;
	s12 =	simm.s32 $0x2  }
0xf: {  	v0 =	vlaneseq.u32;
	v1 =	vimm.s32 $0x0;
	s13 =	simm.s32 $0x200;
	s10 =	sadd.s32 $0x1E8E00, s10;
	s11 =	smax.u32 s11, $0x1  }
.LBB2_1:
0x10: {  	[tilespmem:s2], [sflag:$0x2] =	stream.linear.gather [hbm4b:s7+s2], $0x200, $0x38;
	[tilespmem:$0x12610] =	vst v63  }
0x11: {  	_ =	swait.ge [sflag:s12], $0x200  }
0x12: {  	[sflag:s12] =	ssyncset.done $0x0  }
0x13: {  	[sflag:s12] =	ssyncadd.s32 $0xFFFFFE00  }
0x14: {  	[tilespmem:s13], [sflag:$0x2] =	stream.linear.gather [hbm4b:s8+s2], $0x200, $0x38;
	[tilespmem:$0x12610] =	vst v63  }
0x15: {  	_ =	swait.ge [sflag:s12], $0x200  }
0x16: {  	[sflag:s12] =	ssyncset.done $0x0  }
0x17: {  	s21 =	simm.s32 $0x12400;
	[sflag:s12] =	ssyncadd.s32 $0xFFFFFE00  }
0x18: {  	[tilespmem:s21], [sflag:$0x2] =	stream.linear.gather [hbm4b:s9+s2], $0x200, $0x38;
	[tilespmem:$0x12610] =	vst v63  }
0x19: {  	_ =	swait.ge [sflag:s12], $0x200  }
0x1a: {  	[sflag:s12] =	ssyncset.done $0x0  }
0x1b: {  	[sflag:s12] =	ssyncadd.s32 $0xFFFFFE00  }
0x1c: {  	[tilespmem:s14], [sflag:$0x1] =	stream.indirect.gather [hbm4b:s3+s13], $0x40, s2, s13, $0xb8;
	[tilespmem:$0x12610] =	vst v63  }
0x1d: {  	_ = 	snop  }
0x1e: {  	[tilespmem:s15], [sflag:$0x1] =	stream.indirect.gather [hbm4b:s4+s13], $0x40, s13, s13, $0xb8;
	[tilespmem:$0x12610] =	vst v63  }
0x1f: {  	_ = 	snop  }
0x20: {  	[tilespmem:s16], [sflag:$0x1] =	stream.indirect.gather [hbm4b:s5+s13], $0x1, s2, s13, $0xb8;
	[tilespmem:$0x12610] =	vst v63  }
0x21: {  	_ = 	snop  }
0x22: {  	[tilespmem:s17], [sflag:$0x1] =	stream.indirect.gather [hbm4b:s6+s13], $0x1, s13, s13, $0xb8;
	[tilespmem:$0x12610] =	vst v63  }
0x23: {  	_ =	swait.ge [sflag:s18], $0x8000  }
0x24: {  	[sflag:s18] =	ssyncset.done $0x0  }
0x25: {  	[sflag:s18] =	ssyncadd.s32 $0xFFFF8000  }
0x26: {  	_ =	swait.ge [sflag:s18], $0x8000  }
0x27: {  	[sflag:s18] =	ssyncset.done $0x0  }
0x28: {  	[sflag:s18] =	ssyncadd.s32 $0xFFFF8000  }
0x29: {  	_ =	swait.ge [sflag:s18], $0x200  }
0x2a: {  	v3 =	vor.u32 s2, v0;
	[sflag:s18] =	ssyncset.done $0x0  }
0x2b: {  	v2 =	vshll.u32 v3, $0x6;
	[sflag:s18] =	ssyncadd.s32 $0xFFFFFE00  }
0x2c: {  	_ =	swait.ge [sflag:s18], $0x200  }
0x2d: {  	v5 =	vor.u32 $0x1, v2;
	[sflag:s18] =	ssyncset.done $0x0  }
0x2e: {  	[sflag:s18] =	ssyncadd.s32 $0xFFFFFE00  }
0x2f: {  	v6 =	vor.u32 $0x2, v2;
	v4 =	vld [tilespmem:s21+$0x0]  }
0x30: {  	v7 =	vld.idx.msk [tilespmem:v2+s14+$0x0], $0xffff  }
0x31: {  	v9 =	vor.u32 $0x3, v2;
	v8 =	vld.idx.msk [tilespmem:v2+s15+$0x0], $0xffff  }
0x32: {  	v10 =	vld.idx.msk [tilespmem:v5+s14+$0x0], $0xffff  }
0x33: {  	v11 =	vor.u32 $0x4, v2;
	v5 =	vld.idx.msk [tilespmem:v5+s15+$0x0], $0xffff  }
0x34: {  	v12 =	vld.idx.msk [tilespmem:v6+s14+$0x0], $0xffff  }
0x35: {  	v13 =	vor.u32 $0x5, v2;
	v6 =	vld.idx.msk [tilespmem:v6+s15+$0x0], $0xffff  }
0x36: {  	v14 =	vld.idx.msk [tilespmem:v9+s14+$0x0], $0xffff  }
0x37: {  	v7 =	vmul.f32 v8, v7;
	v8 =	vld.idx.msk [tilespmem:v9+s15+$0x0], $0xffff;
	v9 =	vor.u32 $0x6, v2  }
0x38: {  	v15 =	vld.idx.msk [tilespmem:v11+s14+$0x0], $0xffff  }
0x39: {  	v5 =	vmul.f32 v5, v10;
	v10 =	vld.idx.msk [tilespmem:v11+s15+$0x0], $0xffff;
	v11 =	vor.u32 $0x7, v2;
	v7 =	vadd.f32 $0.0e+00, v7  }
0x3a: {  	v16 =	vld.idx.msk [tilespmem:v13+s14+$0x0], $0xffff  }
0x3b: {  	v17 =	vor.u32 $0x8, v2;
	v6 =	vmul.f32 v6, v12;
	v5 =	vadd.f32 v5, v7;
	v7 =	vld.idx.msk [tilespmem:v13+s15+$0x0], $0xffff  }
0x3c: {  	v12 =	vld.idx.msk [tilespmem:v9+s14+$0x0], $0xffff  }
0x3d: {  	v5 =	vadd.f32 v6, v5;
	v6 =	vmul.f32 v8, v14;
	v8 =	vld.idx.msk [tilespmem:v9+s15+$0x0], $0xffff;
	v9 =	vor.u32 $0x9, v2  }
0x3e: {  	v13 =	vld.idx.msk [tilespmem:v11+s14+$0x0], $0xffff  }
0x3f: {  	v5 =	vadd.f32 v6, v5;
	v6 =	vmul.f32 v10, v15;
	v10 =	vld.idx.msk [tilespmem:v11+s15+$0x0], $0xffff;
	v11 =	vor.u32 $0xA, v2  }
0x40: {  	v14 =	vld.idx.msk [tilespmem:v17+s14+$0x0], $0xffff  }
0x41: {  	v15 =	vor.u32 $0xB, v2;
	v5 =	vadd.f32 v6, v5;
	v6 =	vmul.f32 v7, v16;
	v7 =	vld.idx.msk [tilespmem:v17+s15+$0x0], $0xffff  }
0x42: {  	v16 =	vld.idx.msk [tilespmem:v9+s14+$0x0], $0xffff  }
0x43: {  	v5 =	vadd.f32 v6, v5;
	v6 =	vmul.f32 v8, v12;
	v8 =	vld.idx.msk [tilespmem:v9+s15+$0x0], $0xffff;
	v9 =	vor.u32 $0xC, v2  }
0x44: {  	v12 =	vld.idx.msk [tilespmem:v11+s14+$0x0], $0xffff  }
0x45: {  	v5 =	vadd.f32 v6, v5;
	v6 =	vmul.f32 v10, v13;
	v10 =	vld.idx.msk [tilespmem:v11+s15+$0x0], $0xffff;
	v11 =	vor.u32 $0xD, v2  }
0x46: {  	v13 =	vld.idx.msk [tilespmem:v15+s14+$0x0], $0xffff  }
0x47: {  	v5 =	vadd.f32 v6, v5;
	v6 =	vmul.f32 v7, v14;
	v7 =	vld.idx.msk [tilespmem:v15+s15+$0x0], $0xffff;
	v14 =	vor.u32 $0xE, v2  }
0x48: {  	v15 =	vld.idx.msk [tilespmem:v9+s14+$0x0], $0xffff  }
0x49: {  	v5 =	vadd.f32 v6, v5;
	v6 =	vmul.f32 v8, v16;
	v8 =	vld.idx.msk [tilespmem:v9+s15+$0x0], $0xffff;
	v9 =	vor.u32 $0xF, v2  }
0x4a: {  	v16 =	vld.idx.msk [tilespmem:v11+s14+$0x0], $0xffff  }
0x4b: {  	v5 =	vadd.f32 v6, v5;
	v6 =	vmul.f32 v10, v12;
	v10 =	vld.idx.msk [tilespmem:v11+s15+$0x0], $0xffff;
	v11 =	vor.u32 $0x10, v2  }
0x4c: {  	v12 =	vld.idx.msk [tilespmem:v14+s14+$0x0], $0xffff  }
0x4d: {  	v5 =	vadd.f32 v6, v5;
	v6 =	vmul.f32 v7, v13;
	v7 =	vld.idx.msk [tilespmem:v14+s15+$0x0], $0xffff;
	v13 =	vor.u32 $0x11, v2  }
0x4e: {  	v14 =	vld.idx.msk [tilespmem:v9+s14+$0x0], $0xffff  }
0x4f: {  	v5 =	vadd.f32 v6, v5;
	v6 =	vmul.f32 v8, v15;
	v8 =	vld.idx.msk [tilespmem:v9+s15+$0x0], $0xffff;
	v9 =	vor.u32 $0x12, v2  }
0x50: {  	v15 =	vld.idx.msk [tilespmem:v11+s14+$0x0], $0xffff  }
0x51: {  	v5 =	vadd.f32 v6, v5;
	v6 =	vmul.f32 v10, v16;
	v10 =	vld.idx.msk [tilespmem:v11+s15+$0x0], $0xffff;
	v11 =	vor.u32 $0x13, v2  }
0x52: {  	v16 =	vld.idx.msk [tilespmem:v13+s14+$0x0], $0xffff  }
0x53: {  	v5 =	vadd.f32 v6, v5;
	v6 =	vmul.f32 v7, v12;
	v7 =	vld.idx.msk [tilespmem:v13+s15+$0x0], $0xffff;
	v12 =	vor.u32 $0x14, v2  }
0x54: {  	v13 =	vld.idx.msk [tilespmem:v9+s14+$0x0], $0xffff  }
0x55: {  	v5 =	vadd.f32 v6, v5;
	v6 =	vmul.f32 v8, v14;
	v8 =	vld.idx.msk [tilespmem:v9+s15+$0x0], $0xffff;
	v9 =	vor.u32 $0x15, v2  }
0x56: {  	v14 =	vld.idx.msk [tilespmem:v11+s14+$0x0], $0xffff  }
0x57: {  	v5 =	vadd.f32 v6, v5;
	v6 =	vmul.f32 v10, v15;
	v10 =	vld.idx.msk [tilespmem:v11+s15+$0x0], $0xffff;
	v11 =	vor.u32 $0x16, v2  }
0x58: {  	v15 =	vld.idx.msk [tilespmem:v12+s14+$0x0], $0xffff  }
0x59: {  	v5 =	vadd.f32 v6, v5;
	v6 =	vmul.f32 v7, v16;
	v7 =	vld.idx.msk [tilespmem:v12+s15+$0x0], $0xffff;
	v12 =	vor.u32 $0x17, v2  }
0x5a: {  	v16 =	vld.idx.msk [tilespmem:v9+s14+$0x0], $0xffff  }
0x5b: {  	v5 =	vadd.f32 v6, v5;
	v6 =	vmul.f32 v8, v13;
	v8 =	vld.idx.msk [tilespmem:v9+s15+$0x0], $0xffff;
	v9 =	vor.u32 $0x18, v2  }
0x5c: {  	v13 =	vld.idx.msk [tilespmem:v11+s14+$0x0], $0xffff  }
0x5d: {  	v5 =	vadd.f32 v6, v5;
	v6 =	vmul.f32 v10, v14;
	v10 =	vld.idx.msk [tilespmem:v11+s15+$0x0], $0xffff;
	v11 =	vor.u32 $0x19, v2  }
0x5e: {  	v14 =	vld.idx.msk [tilespmem:v12+s14+$0x0], $0xffff  }
0x5f: {  	v5 =	vadd.f32 v6, v5;
	v6 =	vmul.f32 v7, v15;
	v7 =	vld.idx.msk [tilespmem:v12+s15+$0x0], $0xffff;
	v12 =	vor.u32 $0x1A, v2  }
0x60: {  	v15 =	vld.idx.msk [tilespmem:v9+s14+$0x0], $0xffff  }
0x61: {  	v5 =	vadd.f32 v6, v5;
	v6 =	vmul.f32 v8, v16;
	v8 =	vld.idx.msk [tilespmem:v9+s15+$0x0], $0xffff;
	v9 =	vor.u32 $0x1B, v2  }
0x62: {  	v16 =	vld.idx.msk [tilespmem:v11+s14+$0x0], $0xffff  }
0x63: {  	v5 =	vadd.f32 v6, v5;
	v6 =	vmul.f32 v10, v13;
	v10 =	vld.idx.msk [tilespmem:v11+s15+$0x0], $0xffff;
	v11 =	vor.u32 $0x1C, v2  }
0x64: {  	v13 =	vld.idx.msk [tilespmem:v12+s14+$0x0], $0xffff  }
0x65: {  	v5 =	vadd.f32 v6, v5;
	v6 =	vmul.f32 v7, v14;
	v7 =	vld.idx.msk [tilespmem:v12+s15+$0x0], $0xffff;
	v12 =	vor.u32 $0x1D, v2  }
0x66: {  	v14 =	vld.idx.msk [tilespmem:v9+s14+$0x0], $0xffff  }
0x67: {  	v5 =	vadd.f32 v6, v5;
	v6 =	vmul.f32 v8, v15;
	v8 =	vld.idx.msk [tilespmem:v9+s15+$0x0], $0xffff;
	v9 =	vor.u32 $0x1E, v2  }
0x68: {  	v15 =	vld.idx.msk [tilespmem:v11+s14+$0x0], $0xffff  }
0x69: {  	v5 =	vadd.f32 v6, v5;
	v6 =	vmul.f32 v10, v16;
	v10 =	vld.idx.msk [tilespmem:v11+s15+$0x0], $0xffff;
	v11 =	vor.u32 $0x1F, v2  }
0x6a: {  	v16 =	vld.idx.msk [tilespmem:v12+s14+$0x0], $0xffff  }
0x6b: {  	v5 =	vadd.f32 v6, v5;
	v6 =	vmul.f32 v7, v13;
	v7 =	vld.idx.msk [tilespmem:v12+s15+$0x0], $0xffff;
	v12 =	vor.u32 $0x20, v2  }
0x6c: {  	v13 =	vld.idx.msk [tilespmem:v9+s14+$0x0], $0xffff  }
0x6d: {  	v5 =	vadd.f32 v6, v5;
	v6 =	vmul.f32 v8, v14;
	v8 =	vld.idx.msk [tilespmem:v9+s15+$0x0], $0xffff;
	v9 =	vor.u32 $0x21, v2  }
0x6e: {  	v14 =	vld.idx.msk [tilespmem:v11+s14+$0x0], $0xffff  }
0x6f: {  	v5 =	vadd.f32 v6, v5;
	v6 =	vmul.f32 v10, v15;
	v10 =	vld.idx.msk [tilespmem:v11+s15+$0x0], $0xffff;
	v11 =	vor.u32 $0x22, v2  }
0x70: {  	v15 =	vld.idx.msk [tilespmem:v12+s14+$0x0], $0xffff  }
0x71: {  	v5 =	vadd.f32 v6, v5;
	v6 =	vmul.f32 v7, v16;
	v7 =	vld.idx.msk [tilespmem:v12+s15+$0x0], $0xffff;
	v12 =	vor.u32 $0x23, v2  }
0x72: {  	v16 =	vld.idx.msk [tilespmem:v9+s14+$0x0], $0xffff  }
0x73: {  	v5 =	vadd.f32 v6, v5;
	v6 =	vmul.f32 v8, v13;
	v8 =	vld.idx.msk [tilespmem:v9+s15+$0x0], $0xffff;
	v9 =	vor.u32 $0x24, v2  }
0x74: {  	v13 =	vld.idx.msk [tilespmem:v11+s14+$0x0], $0xffff  }
0x75: {  	v5 =	vadd.f32 v6, v5;
	v6 =	vmul.f32 v10, v14;
	v10 =	vld.idx.msk [tilespmem:v11+s15+$0x0], $0xffff;
	v11 =	vor.u32 $0x25, v2  }
0x76: {  	v14 =	vld.idx.msk [tilespmem:v12+s14+$0x0], $0xffff  }
0x77: {  	v5 =	vadd.f32 v6, v5;
	v6 =	vmul.f32 v7, v15;
	v7 =	vld.idx.msk [tilespmem:v12+s15+$0x0], $0xffff;
	v12 =	vor.u32 $0x26, v2  }
0x78: {  	v15 =	vld.idx.msk [tilespmem:v9+s14+$0x0], $0xffff  }
0x79: {  	v5 =	vadd.f32 v6, v5;
	v6 =	vmul.f32 v8, v16;
	v8 =	vld.idx.msk [tilespmem:v9+s15+$0x0], $0xffff;
	v9 =	vor.u32 $0x27, v2  }
0x7a: {  	v16 =	vld.idx.msk [tilespmem:v11+s14+$0x0], $0xffff  }
0x7b: {  	v5 =	vadd.f32 v6, v5;
	v6 =	vmul.f32 v10, v13;
	v10 =	vld.idx.msk [tilespmem:v11+s15+$0x0], $0xffff;
	v11 =	vor.u32 $0x28, v2  }
0x7c: {  	v13 =	vld.idx.msk [tilespmem:v12+s14+$0x0], $0xffff  }
0x7d: {  	v5 =	vadd.f32 v6, v5;
	v6 =	vmul.f32 v7, v14;
	v7 =	vld.idx.msk [tilespmem:v12+s15+$0x0], $0xffff;
	v12 =	vor.u32 $0x29, v2  }
0x7e: {  	v14 =	vld.idx.msk [tilespmem:v9+s14+$0x0], $0xffff  }
0x7f: {  	v5 =	vadd.f32 v6, v5;
	v6 =	vmul.f32 v8, v15;
	v8 =	vld.idx.msk [tilespmem:v9+s15+$0x0], $0xffff;
	v9 =	vor.u32 $0x2A, v2  }
0x80: {  	v15 =	vld.idx.msk [tilespmem:v11+s14+$0x0], $0xffff  }
0x81: {  	v5 =	vadd.f32 v6, v5;
	v6 =	vmul.f32 v10, v16;
	v10 =	vld.idx.msk [tilespmem:v11+s15+$0x0], $0xffff;
	v11 =	vor.u32 $0x2B, v2  }
0x82: {  	v16 =	vld.idx.msk [tilespmem:v12+s14+$0x0], $0xffff  }
0x83: {  	v5 =	vadd.f32 v6, v5;
	v6 =	vmul.f32 v7, v13;
	v7 =	vld.idx.msk [tilespmem:v12+s15+$0x0], $0xffff;
	v12 =	vor.u32 $0x2C, v2  }
0x84: {  	v17 =	vor.u32 $0x2D, v2;
	v13 =	vld.idx.msk [tilespmem:v9+s14+$0x0], $0xffff  }
0x85: {  	v5 =	vadd.f32 v6, v5;
	v6 =	vmul.f32 v8, v14;
	v8 =	vld.idx.msk [tilespmem:v9+s15+$0x0], $0xffff;
	v9 =	vand.u32 $0x7FFFFF, v4  }
0x86: {  	v18 =	vor.u32 $0x2E, v2;
	v14 =	vld.idx.msk [tilespmem:v11+s14+$0x0], $0xffff;
	v9 =	vor.u32 $0x3F800000, v9  }
0x87: {  	v5 =	vadd.f32 v6, v5;
	v6 =	vmul.f32 v10, v15;
	v10 =	vld.idx.msk [tilespmem:v11+s15+$0x0], $0xffff;
	v11 =	vmul.f32 $5.000000000e-01, v9  }
0x88: {  	v19 =	vor.u32 $0x2F, v2;
	vm0 =	vgt.f32 v9, $1.414213540e+00;
	v15 =	vld.idx.msk [tilespmem:v12+s14+$0x0], $0xffff  }
0x89: {  	v5 =	vadd.f32 v6, v5;
	v6 =	vmul.f32 v7, v16;
	v7 =	vld.idx.msk [tilespmem:v12+s15+$0x0], $0xffff;
	v9 =	vsel vm0, v11, v9  }
0x8a: {  	v11 =	vld.idx.msk [tilespmem:v17+s14+$0x0], $0xffff;
	v12 =	vadd.f32 $1.000000000e+00, v9  }
0x8b: {  	v16 =	vld.idx.msk [tilespmem:v18+s14+$0x0], $0xffff;
	v5 =	vadd.f32 v6, v5;
	v6 =	vmul.f32 v8, v13;
	v13 =	vor.u32 $0x30, v2  }
0x8c: {  	v8 =	vld.idx.msk [tilespmem:v17+s15+$0x0], $0xffff;
	(erf) = vrcp.f32 v12  }
0x8d: {  	v12 =	vor.u32 $0x31, v2;
	v5 =	vadd.f32 v6, v5;
	v6 =	vmul.f32 v10, v14;
	v10 =	vld.idx.msk [tilespmem:v18+s15+$0x0], $0xffff  }
0x8e: {  	v14 =	vld.idx.msk [tilespmem:v19+s14+$0x0], $0xffff  }
0x8f: {  	v5 =	vadd.f32 v6, v5;
	v6 =	vmul.f32 v7, v15;
	v7 =	vld.idx.msk [tilespmem:v19+s15+$0x0], $0xffff;
	v15 =	vor.u32 $0x32, v2  }
0x90: {  	v17 =	vld.idx.msk [tilespmem:v13+s14+$0x0], $0xffff  }
0x91: {  	v5 =	vadd.f32 v6, v5;
	v6 =	vmul.f32 v8, v11;
	v8 =	vld.idx.msk [tilespmem:v13+s15+$0x0], $0xffff;
	v11 =	vor.u32 $0x33, v2  }
0x92: {  	v13 =	vld.idx.msk [tilespmem:v12+s14+$0x0], $0xffff  }
0x93: {  	v5 =	vadd.f32 v6, v5;
	v6 =	vmul.f32 v10, v16;
	v10 =	vld.idx.msk [tilespmem:v12+s15+$0x0], $0xffff;
	v12 =	vor.u32 $0x34, v2  }
0x94: {  	v9 =	vadd.f32 $-1.000000000e+00, v9;
	v16 =	vld.idx.msk [tilespmem:v15+s14+$0x0], $0xffff  }
0x95: {  	v5 =	vadd.f32 v6, v5;
	v6 =	vmul.f32 v7, v14;
	v7 =	vld.idx.msk [tilespmem:v15+s15+$0x0], $0xffff;
	v14 =	vor.u32 $0x35, v2;
	v15 =	vpop (erf)  }
0x96: {  	v18 =	vld.idx.msk [tilespmem:v11+s14+$0x0], $0xffff;
	v9 =	vmul.f32 v15, v9  }
0x97: {  	v5 =	vadd.f32 v6, v5;
	v6 =	vmul.f32 v8, v17;
	v8 =	vld.idx.msk [tilespmem:v11+s15+$0x0], $0xffff;
	v11 =	vor.u32 $0x36, v2  }
0x98: {  	v15 =	vld.idx.msk [tilespmem:v12+s14+$0x0], $0xffff;
	v17 =	vmul.f32 v9, v9  }
0x99: {  	v5 =	vadd.f32 v6, v5;
	v6 =	vmul.f32 v10, v13;
	v10 =	vld.idx.msk [tilespmem:v12+s15+$0x0], $0xffff;
	v12 =	vor.u32 $0x37, v2  }
0x9a: {  	v13 =	vld.idx.msk [tilespmem:v14+s14+$0x0], $0xffff;
	v19 =	vmul.f32 $1.111111120e-01, v17  }
0x9b: {  	v5 =	vadd.f32 v6, v5;
	v6 =	vmul.f32 v7, v16;
	v7 =	vld.idx.msk [tilespmem:v14+s15+$0x0], $0xffff;
	v14 =	vor.u32 $0x38, v2  }
0x9c: {  	v16 =	vld.idx.msk [tilespmem:v11+s14+$0x0], $0xffff;
	v19 =	vadd.f32 $1.428571490e-01, v19  }
0x9d: {  	v5 =	vadd.f32 v6, v5;
	v6 =	vmul.f32 v8, v18;
	v8 =	vld.idx.msk [tilespmem:v11+s15+$0x0], $0xffff;
	v11 =	vor.u32 $0x39, v2  }
0x9e: {  	v18 =	vld.idx.msk [tilespmem:v12+s14+$0x0], $0xffff;
	v19 =	vmul.f32 v19, v17  }
0x9f: {  	v5 =	vadd.f32 v6, v5;
	v6 =	vmul.f32 v10, v15;
	v10 =	vld.idx.msk [tilespmem:v12+s15+$0x0], $0xffff;
	v12 =	vor.u32 $0x3A, v2  }
0xa0: {  	v15 =	vld.idx.msk [tilespmem:v14+s14+$0x0], $0xffff;
	v19 =	vadd.f32 $2.000000030e-01, v19  }
0xa1: {  	v5 =	vadd.f32 v6, v5;
	v6 =	vmul.f32 v7, v13;
	v7 =	vld.idx.msk [tilespmem:v14+s15+$0x0], $0xffff;
	v13 =	vor.u32 $0x3B, v2  }
0xa2: {  	v22 =	vor.u32 $0x3D, v2;
	v14 =	vld.idx.msk [tilespmem:v11+s14+$0x0], $0xffff;
	v19 =	vmul.f32 v19, v17  }
0xa3: {  	v4 =	vshrl.u32 v4, $0x17;
	v5 =	vadd.f32 v6, v5;
	v6 =	vmul.f32 v8, v16;
	v8 =	vld.idx.msk [tilespmem:v11+s15+$0x0], $0xffff  }
0xa4: {  	v20 =	vor.u32 $0x3C, v2;
	v4 =	vand.u32 $0xFF, v4;
	v21 =	vld.idx.msk [tilespmem:v12+s14+$0x0], $0xffff;
	v11 =	vadd.f32 $3.333333430e-01, v19  }
0xa5: {  	v5 =	vadd.f32 v6, v5;
	v6 =	vmul.f32 v10, v18;
	v10 =	vld.idx.msk [tilespmem:v12+s15+$0x0], $0xffff;
	v12 =	vsel vm0, $0x1, v1  }
0xa6: {  	v19 =	vor.u32 $0x3E, v2;
	v18 =	vld.idx.msk [tilespmem:v13+s14+$0x0], $0xffff;
	v4 =	vadd.s32 v12, v4;
	v11 =	vmul.f32 v11, v17  }
0xa7: {  	v7 =	vmul.f32 v7, v15;
	v15 =	vld.idx.msk [tilespmem:v13+s15+$0x0], $0xffff;
	v5 =	vadd.f32 v6, v5;
	v4 =	vadd.s32 $0xFFFFFF81, v4  }
0xa8: {  	v13 =	vadd.f32 v9, v9;
	v9 =	vld.idx.msk [tilespmem:v22+s14+$0x0], $0xffff;
	v4 =	vcvt.s32.f32 v4;
	v12 =	vadd.f32 $1.000000000e+00, v11  }
0xa9: {  	v16 =	vor.u32 $0x3F, v2;
	v6 =	vld.idx.msk [tilespmem:v20+s14+$0x0], $0xffff;
	v5 =	vadd.f32 v7, v5;
	v7 =	vmul.f32 v8, v14  }
0xaa: {  	v11 =	vld.idx.msk [tilespmem:v20+s15+$0x0], $0xffff;
	v4 =	vmul.f32 $6.931471820e-01, v4;
	v13 =	vmul.f32 v12, v13  }
0xab: {  	v8 =	vld.idx.msk [tilespmem:v19+s14+$0x0], $0xffff;
	v10 =	vmul.f32 v10, v21;
	v14 =	vadd.f32 v7, v5  }
0xac: {  	s22 =	simm.s32 $0x10;
	v12 =	vld.idx.msk [tilespmem:v22+s15+$0x0], $0xffff;
	v7 =	vshll.u32 v3, $0x3;
	v5 =	vadd.f32 v13, v4  }
0xad: {  	v3 =	vor.u32 s22, v0;
	v15 =	vmul.f32 v15, v18;
	v13 =	vld.idx.msk [tilespmem:v19+s15+$0x0], $0xffff;
	v14 =	vadd.f32 v10, v14  }
0xae: {  	v2 =	vimm.f32 $0.0e+00;
	s22 =	simm.s32 $0x20;
	v4 =	vshll.u32 v3, $0x6;
	v10 =	vld.idx.msk [tilespmem:v16+s14+$0x0], $0xffff;
	v18 =	vadd.f32 $-4.605170250e+00, v5  }
.LBB2_2:
0xaf: {  	p0 =	sne.s32 s22, $0x1F0;
	v14 =	vadd.f32 v15, v14;
	v11 =	vmul.f32 v11, v6;
	v15 =	vld.idx.msk [tilespmem:v16+s15+$0x0], $0xffff;
	s21 =	sadd.s32 $0x10, s21  }
0xb0: {  	v16 =	vor.u32 $0x1, v4;
	v6 =	vld [tilespmem:s21+$0x0];
	v17 =	vmul.f32 $7.500000000e-01, v18  }
0xb1: {  	v9 =	vmul.f32 v12, v9;
	v11 =	vadd.f32 v11, v14;
	v12 =	vld.idx.msk [tilespmem:v7+s17+$0x0], $0xffff  }
0xb2: {  	v14 =	vor.u32 $0x2, v4;
	v7 =	vld.idx.msk [tilespmem:v7+s16+$0x0], $0xffff;
	v17 =	vmul.f32 $1.442695020e+00, v17  }
0xb3: {  	v8 =	vmul.f32 v13, v8;
	v18 =	vld.idx.msk [tilespmem:v4+s14+$0x0], $0xffff;
	v9 =	vadd.f32 v9, v11  }
0xb4: {  	v13 =	vor.u32 $0x3, v4;
	v11 =	vld.idx.msk [tilespmem:v4+s15+$0x0], $0xffff;
	(erf) = vpow2.f32 v17  }
0xb5: {  	v17 =	vld.idx.msk [tilespmem:v16+s14+$0x0], $0xffff;
	v8 =	vadd.f32 v8, v9;
	v9 =	vmul.f32 v15, v10  }
0xb6: {  	v15 =	vor.u32 $0x4, v4;
	v10 =	vld.idx.msk [tilespmem:v16+s15+$0x0], $0xffff  }
0xb7: {  	v16 =	vld.idx.msk [tilespmem:v14+s14+$0x0], $0xffff;
	v8 =	vadd.f32 v9, v8  }
0xb8: {  	v9 =	vld.idx.msk [tilespmem:v14+s15+$0x0], $0xffff;
	v14 =	vor.u32 $0x5, v4  }
0xb9: {  	v19 =	vld.idx.msk [tilespmem:v13+s14+$0x0], $0xffff;
	v7 =	vadd.f32 v8, v7  }
0xba: {  	v8 =	vmul.f32 v11, v18;
	v11 =	vld.idx.msk [tilespmem:v13+s15+$0x0], $0xffff;
	v13 =	vor.u32 $0x6, v4  }
0xbb: {  	v18 =	vld.idx.msk [tilespmem:v15+s14+$0x0], $0xffff;
	v21 =	vadd.f32 v7, v12  }
0xbc: {  	v8 =	vadd.f32 $0.0e+00, v8;
	v10 =	vmul.f32 v10, v17;
	v12 =	vld.idx.msk [tilespmem:v15+s15+$0x0], $0xffff;
	v15 =	vor.u32 $0x7, v4  }
0xbd: {  	v20 =	vor.u32 $0x8, v4;
	v17 =	vld.idx.msk [tilespmem:v14+s14+$0x0], $0xffff;
	v5 =	vsub.f32 v21, v5;
	v7 =	vpop (erf)  }
0xbe: {  	v8 =	vadd.f32 v10, v8;
	v9 =	vmul.f32 v9, v16;
	v10 =	vld.idx.msk [tilespmem:v14+s15+$0x0], $0xffff;
	v7 =	vmin.f32 v7, $1.000000000e+00  }
0xbf: {  	v14 =	vld.idx.msk [tilespmem:v13+s14+$0x0], $0xffff;
	v7 =	vmul.f32 v7, v5  }
0xc0: {  	v8 =	vadd.f32 v9, v8;
	v9 =	vmul.f32 v11, v19;
	v11 =	vld.idx.msk [tilespmem:v13+s15+$0x0], $0xffff;
	v13 =	vor.u32 $0x9, v4  }
0xc1: {  	v16 =	vld.idx.msk [tilespmem:v15+s14+$0x0], $0xffff;
	v5 =	vmul.f32 v7, v5  }
0xc2: {  	v7 =	vadd.f32 v9, v8;
	v8 =	vmul.f32 v12, v18;
	v12 =	vor.u32 $0xA, v4;
	v9 =	vld.idx.msk [tilespmem:v15+s15+$0x0], $0xffff  }
0xc3: {  	v15 =	vld.idx.msk [tilespmem:v20+s14+$0x0], $0xffff;
	v2 =	vadd.f32 v5, v2  }
0xc4: {  	v5 =	vadd.f32 v8, v7;
	v7 =	vmul.f32 v10, v17;
	v10 =	vor.u32 $0xB, v4;
	v8 =	vld.idx.msk [tilespmem:v20+s15+$0x0], $0xffff  }
0xc5: {  	v17 =	vld.idx.msk [tilespmem:v13+s14+$0x0], $0xffff  }
0xc6: {  	v5 =	vadd.f32 v7, v5;
	v7 =	vmul.f32 v11, v14;
	v11 =	vld.idx.msk [tilespmem:v13+s15+$0x0], $0xffff;
	v13 =	vor.u32 $0xC, v4  }
0xc7: {  	v14 =	vld.idx.msk [tilespmem:v12+s14+$0x0], $0xffff  }
0xc8: {  	v5 =	vadd.f32 v7, v5;
	v7 =	vmul.f32 v9, v16;
	v9 =	vld.idx.msk [tilespmem:v12+s15+$0x0], $0xffff;
	v12 =	vor.u32 $0xD, v4  }
0xc9: {  	v16 =	vld.idx.msk [tilespmem:v10+s14+$0x0], $0xffff  }
0xca: {  	v5 =	vadd.f32 v7, v5;
	v7 =	vmul.f32 v8, v15;
	v8 =	vld.idx.msk [tilespmem:v10+s15+$0x0], $0xffff;
	v10 =	vor.u32 $0xE, v4  }
0xcb: {  	v15 =	vld.idx.msk [tilespmem:v13+s14+$0x0], $0xffff  }
0xcc: {  	v5 =	vadd.f32 v7, v5;
	v7 =	vmul.f32 v11, v17;
	v11 =	vld.idx.msk [tilespmem:v13+s15+$0x0], $0xffff;
	v13 =	vor.u32 $0xF, v4  }
0xcd: {  	v17 =	vld.idx.msk [tilespmem:v12+s14+$0x0], $0xffff  }
0xce: {  	v5 =	vadd.f32 v7, v5;
	v7 =	vmul.f32 v9, v14;
	v9 =	vld.idx.msk [tilespmem:v12+s15+$0x0], $0xffff;
	v12 =	vor.u32 $0x10, v4  }
0xcf: {  	v14 =	vld.idx.msk [tilespmem:v10+s14+$0x0], $0xffff  }
0xd0: {  	v5 =	vadd.f32 v7, v5;
	v7 =	vmul.f32 v8, v16;
	v8 =	vld.idx.msk [tilespmem:v10+s15+$0x0], $0xffff;
	v10 =	vor.u32 $0x11, v4  }
0xd1: {  	v16 =	vld.idx.msk [tilespmem:v13+s14+$0x0], $0xffff  }
0xd2: {  	v5 =	vadd.f32 v7, v5;
	v7 =	vmul.f32 v11, v15;
	v11 =	vld.idx.msk [tilespmem:v13+s15+$0x0], $0xffff;
	v13 =	vor.u32 $0x12, v4  }
0xd3: {  	v15 =	vld.idx.msk [tilespmem:v12+s14+$0x0], $0xffff  }
0xd4: {  	v5 =	vadd.f32 v7, v5;
	v7 =	vmul.f32 v9, v17;
	v9 =	vld.idx.msk [tilespmem:v12+s15+$0x0], $0xffff;
	v12 =	vor.u32 $0x13, v4  }
0xd5: {  	v17 =	vld.idx.msk [tilespmem:v10+s14+$0x0], $0xffff  }
0xd6: {  	v5 =	vadd.f32 v7, v5;
	v7 =	vmul.f32 v8, v14;
	v8 =	vld.idx.msk [tilespmem:v10+s15+$0x0], $0xffff;
	v10 =	vor.u32 $0x14, v4  }
0xd7: {  	v14 =	vld.idx.msk [tilespmem:v13+s14+$0x0], $0xffff  }
0xd8: {  	v5 =	vadd.f32 v7, v5;
	v7 =	vmul.f32 v11, v16;
	v11 =	vld.idx.msk [tilespmem:v13+s15+$0x0], $0xffff;
	v13 =	vor.u32 $0x15, v4  }
0xd9: {  	v16 =	vld.idx.msk [tilespmem:v12+s14+$0x0], $0xffff  }
0xda: {  	v5 =	vadd.f32 v7, v5;
	v7 =	vmul.f32 v9, v15;
	v9 =	vld.idx.msk [tilespmem:v12+s15+$0x0], $0xffff;
	v12 =	vor.u32 $0x16, v4  }
0xdb: {  	v15 =	vld.idx.msk [tilespmem:v10+s14+$0x0], $0xffff  }
0xdc: {  	v5 =	vadd.f32 v7, v5;
	v7 =	vmul.f32 v8, v17;
	v8 =	vld.idx.msk [tilespmem:v10+s15+$0x0], $0xffff;
	v10 =	vor.u32 $0x17, v4  }
0xdd: {  	v17 =	vld.idx.msk [tilespmem:v13+s14+$0x0], $0xffff  }
0xde: {  	v5 =	vadd.f32 v7, v5;
	v7 =	vmul.f32 v11, v14;
	v11 =	vld.idx.msk [tilespmem:v13+s15+$0x0], $0xffff;
	v13 =	vor.u32 $0x18, v4  }
0xdf: {  	v14 =	vld.idx.msk [tilespmem:v12+s14+$0x0], $0xffff  }
0xe0: {  	v5 =	vadd.f32 v7, v5;
	v7 =	vmul.f32 v9, v16;
	v9 =	vld.idx.msk [tilespmem:v12+s15+$0x0], $0xffff;
	v12 =	vor.u32 $0x19, v4  }
0xe1: {  	v16 =	vld.idx.msk [tilespmem:v10+s14+$0x0], $0xffff  }
0xe2: {  	v5 =	vadd.f32 v7, v5;
	v7 =	vmul.f32 v8, v15;
	v8 =	vld.idx.msk [tilespmem:v10+s15+$0x0], $0xffff;
	v10 =	vor.u32 $0x1A, v4  }
0xe3: {  	v15 =	vld.idx.msk [tilespmem:v13+s14+$0x0], $0xffff  }
0xe4: {  	v5 =	vadd.f32 v7, v5;
	v7 =	vmul.f32 v11, v17;
	v11 =	vld.idx.msk [tilespmem:v13+s15+$0x0], $0xffff;
	v13 =	vor.u32 $0x1B, v4  }
0xe5: {  	v17 =	vld.idx.msk [tilespmem:v12+s14+$0x0], $0xffff  }
0xe6: {  	v5 =	vadd.f32 v7, v5;
	v7 =	vmul.f32 v9, v14;
	v9 =	vld.idx.msk [tilespmem:v12+s15+$0x0], $0xffff;
	v12 =	vor.u32 $0x1C, v4  }
0xe7: {  	v14 =	vld.idx.msk [tilespmem:v10+s14+$0x0], $0xffff  }
0xe8: {  	v5 =	vadd.f32 v7, v5;
	v7 =	vmul.f32 v8, v16;
	v8 =	vld.idx.msk [tilespmem:v10+s15+$0x0], $0xffff;
	v10 =	vor.u32 $0x1D, v4  }
0xe9: {  	v16 =	vld.idx.msk [tilespmem:v13+s14+$0x0], $0xffff  }
0xea: {  	v5 =	vadd.f32 v7, v5;
	v7 =	vmul.f32 v11, v15;
	v11 =	vld.idx.msk [tilespmem:v13+s15+$0x0], $0xffff;
	v13 =	vor.u32 $0x1E, v4  }
0xeb: {  	v15 =	vld.idx.msk [tilespmem:v12+s14+$0x0], $0xffff  }
0xec: {  	v5 =	vadd.f32 v7, v5;
	v7 =	vmul.f32 v9, v17;
	v9 =	vld.idx.msk [tilespmem:v12+s15+$0x0], $0xffff;
	v12 =	vor.u32 $0x1F, v4  }
0xed: {  	v17 =	vld.idx.msk [tilespmem:v10+s14+$0x0], $0xffff  }
0xee: {  	v5 =	vadd.f32 v7, v5;
	v7 =	vmul.f32 v8, v14;
	v8 =	vld.idx.msk [tilespmem:v10+s15+$0x0], $0xffff;
	v10 =	vor.u32 $0x20, v4  }
0xef: {  	v14 =	vld.idx.msk [tilespmem:v13+s14+$0x0], $0xffff  }
0xf0: {  	v5 =	vadd.f32 v7, v5;
	v7 =	vmul.f32 v11, v16;
	v11 =	vld.idx.msk [tilespmem:v13+s15+$0x0], $0xffff;
	v13 =	vor.u32 $0x21, v4  }
0xf1: {  	v16 =	vld.idx.msk [tilespmem:v12+s14+$0x0], $0xffff  }
0xf2: {  	v5 =	vadd.f32 v7, v5;
	v7 =	vmul.f32 v9, v15;
	v9 =	vld.idx.msk [tilespmem:v12+s15+$0x0], $0xffff;
	v12 =	vor.u32 $0x22, v4  }
0xf3: {  	v15 =	vld.idx.msk [tilespmem:v10+s14+$0x0], $0xffff  }
0xf4: {  	v5 =	vadd.f32 v7, v5;
	v7 =	vmul.f32 v8, v17;
	v8 =	vld.idx.msk [tilespmem:v10+s15+$0x0], $0xffff;
	v10 =	vor.u32 $0x23, v4  }
0xf5: {  	v17 =	vld.idx.msk [tilespmem:v13+s14+$0x0], $0xffff  }
0xf6: {  	v5 =	vadd.f32 v7, v5;
	v7 =	vmul.f32 v11, v14;
	v11 =	vld.idx.msk [tilespmem:v13+s15+$0x0], $0xffff;
	v13 =	vor.u32 $0x24, v4  }
0xf7: {  	v14 =	vld.idx.msk [tilespmem:v12+s14+$0x0], $0xffff  }
0xf8: {  	v5 =	vadd.f32 v7, v5;
	v7 =	vmul.f32 v9, v16;
	v9 =	vld.idx.msk [tilespmem:v12+s15+$0x0], $0xffff;
	v12 =	vor.u32 $0x25, v4  }
0xf9: {  	v16 =	vld.idx.msk [tilespmem:v10+s14+$0x0], $0xffff  }
0xfa: {  	v5 =	vadd.f32 v7, v5;
	v7 =	vmul.f32 v8, v15;
	v8 =	vld.idx.msk [tilespmem:v10+s15+$0x0], $0xffff;
	v10 =	vor.u32 $0x26, v4  }
0xfb: {  	v15 =	vld.idx.msk [tilespmem:v13+s14+$0x0], $0xffff  }
0xfc: {  	v5 =	vadd.f32 v7, v5;
	v7 =	vmul.f32 v11, v17;
	v11 =	vld.idx.msk [tilespmem:v13+s15+$0x0], $0xffff;
	v13 =	vor.u32 $0x27, v4  }
0xfd: {  	v17 =	vld.idx.msk [tilespmem:v12+s14+$0x0], $0xffff  }
0xfe: {  	v5 =	vadd.f32 v7, v5;
	v7 =	vmul.f32 v9, v14;
	v9 =	vld.idx.msk [tilespmem:v12+s15+$0x0], $0xffff;
	v12 =	vor.u32 $0x28, v4  }
0xff: {  	v14 =	vld.idx.msk [tilespmem:v10+s14+$0x0], $0xffff  }
0x100: {  	v5 =	vadd.f32 v7, v5;
	v7 =	vmul.f32 v8, v16;
	v8 =	vld.idx.msk [tilespmem:v10+s15+$0x0], $0xffff;
	v10 =	vor.u32 $0x29, v4  }
0x101: {  	v16 =	vld.idx.msk [tilespmem:v13+s14+$0x0], $0xffff  }
0x102: {  	v5 =	vadd.f32 v7, v5;
	v7 =	vmul.f32 v11, v15;
	v11 =	vld.idx.msk [tilespmem:v13+s15+$0x0], $0xffff;
	v13 =	vor.u32 $0x2A, v4  }
0x103: {  	v15 =	vld.idx.msk [tilespmem:v12+s14+$0x0], $0xffff  }
0x104: {  	v5 =	vadd.f32 v7, v5;
	v7 =	vmul.f32 v9, v17;
	v9 =	vld.idx.msk [tilespmem:v12+s15+$0x0], $0xffff;
	v12 =	vor.u32 $0x2B, v4  }
0x105: {  	v17 =	vld.idx.msk [tilespmem:v10+s14+$0x0], $0xffff  }
0x106: {  	v5 =	vadd.f32 v7, v5;
	v7 =	vmul.f32 v8, v14;
	v8 =	vld.idx.msk [tilespmem:v10+s15+$0x0], $0xffff;
	v10 =	vor.u32 $0x2C, v4  }
0x107: {  	v18 =	vor.u32 $0x2D, v4;
	v14 =	vld.idx.msk [tilespmem:v13+s14+$0x0], $0xffff  }
0x108: {  	v5 =	vadd.f32 v7, v5;
	v7 =	vmul.f32 v11, v16;
	v11 =	vld.idx.msk [tilespmem:v13+s15+$0x0], $0xffff;
	v13 =	vand.u32 $0x7FFFFF, v6  }
0x109: {  	v19 =	vor.u32 $0x2E, v4;
	v16 =	vld.idx.msk [tilespmem:v12+s14+$0x0], $0xffff;
	v13 =	vor.u32 $0x3F800000, v13  }
0x10a: {  	v5 =	vadd.f32 v7, v5;
	v7 =	vmul.f32 v9, v15;
	v9 =	vld.idx.msk [tilespmem:v12+s15+$0x0], $0xffff;
	v12 =	vmul.f32 $5.000000000e-01, v13  }
0x10b: {  	v20 =	vor.u32 $0x2F, v4;
	vm0 =	vgt.f32 v13, $1.414213540e+00;
	v15 =	vld.idx.msk [tilespmem:v10+s14+$0x0], $0xffff  }
0x10c: {  	v5 =	vadd.f32 v7, v5;
	v7 =	vmul.f32 v8, v17;
	v8 =	vld.idx.msk [tilespmem:v10+s15+$0x0], $0xffff;
	v10 =	vsel vm0, v12, v13  }
0x10d: {  	v12 =	vld.idx.msk [tilespmem:v18+s14+$0x0], $0xffff;
	v13 =	vadd.f32 $1.000000000e+00, v10  }
0x10e: {  	v5 =	vadd.f32 v7, v5;
	v7 =	vmul.f32 v11, v14;
	v14 =	vor.u32 $0x30, v4;
	v11 =	vld.idx.msk [tilespmem:v18+s15+$0x0], $0xffff  }
0x10f: {  	v17 =	vld.idx.msk [tilespmem:v19+s14+$0x0], $0xffff;
	(erf) = vrcp.f32 v13  }
0x110: {  	v5 =	vadd.f32 v7, v5;
	v7 =	vmul.f32 v9, v16;
	v13 =	vor.u32 $0x31, v4;
	v9 =	vld.idx.msk [tilespmem:v19+s15+$0x0], $0xffff  }
0x111: {  	v16 =	vld.idx.msk [tilespmem:v20+s14+$0x0], $0xffff  }
0x112: {  	v5 =	vadd.f32 v7, v5;
	v7 =	vmul.f32 v8, v15;
	v15 =	vor.u32 $0x32, v4;
	v8 =	vld.idx.msk [tilespmem:v20+s15+$0x0], $0xffff  }
0x113: {  	v18 =	vld.idx.msk [tilespmem:v14+s14+$0x0], $0xffff  }
0x114: {  	v5 =	vadd.f32 v7, v5;
	v7 =	vmul.f32 v11, v12;
	v12 =	vor.u32 $0x33, v4;
	v11 =	vld.idx.msk [tilespmem:v14+s15+$0x0], $0xffff  }
0x115: {  	v14 =	vld.idx.msk [tilespmem:v13+s14+$0x0], $0xffff  }
0x116: {  	v5 =	vadd.f32 v7, v5;
	v7 =	vmul.f32 v9, v17;
	v9 =	vld.idx.msk [tilespmem:v13+s15+$0x0], $0xffff;
	v13 =	vor.u32 $0x34, v4  }
0x117: {  	v10 =	vadd.f32 $-1.000000000e+00, v10;
	v17 =	vld.idx.msk [tilespmem:v15+s14+$0x0], $0xffff  }
0x118: {  	v5 =	vadd.f32 v7, v5;
	v7 =	vmul.f32 v8, v16;
	v8 =	vld.idx.msk [tilespmem:v15+s15+$0x0], $0xffff;
	v15 =	vor.u32 $0x35, v4;
	v16 =	vpop (erf)  }
0x119: {  	v19 =	vld.idx.msk [tilespmem:v12+s14+$0x0], $0xffff;
	v10 =	vmul.f32 v16, v10  }
0x11a: {  	v5 =	vadd.f32 v7, v5;
	v7 =	vmul.f32 v11, v18;
	v11 =	vld.idx.msk [tilespmem:v12+s15+$0x0], $0xffff;
	v12 =	vor.u32 $0x36, v4  }
0x11b: {  	v16 =	vld.idx.msk [tilespmem:v13+s14+$0x0], $0xffff;
	v18 =	vmul.f32 v10, v10  }
0x11c: {  	v5 =	vadd.f32 v7, v5;
	v7 =	vmul.f32 v9, v14;
	v9 =	vld.idx.msk [tilespmem:v13+s15+$0x0], $0xffff;
	v13 =	vor.u32 $0x37, v4  }
0x11d: {  	v14 =	vld.idx.msk [tilespmem:v15+s14+$0x0], $0xffff;
	v20 =	vmul.f32 $1.111111120e-01, v18  }
0x11e: {  	v5 =	vadd.f32 v7, v5;
	v7 =	vmul.f32 v8, v17;
	v8 =	vld.idx.msk [tilespmem:v15+s15+$0x0], $0xffff;
	v15 =	vor.u32 $0x38, v4  }
0x11f: {  	v17 =	vld.idx.msk [tilespmem:v12+s14+$0x0], $0xffff;
	v20 =	vadd.f32 $1.428571490e-01, v20  }
0x120: {  	v5 =	vadd.f32 v7, v5;
	v7 =	vmul.f32 v11, v19;
	v11 =	vld.idx.msk [tilespmem:v12+s15+$0x0], $0xffff;
	v12 =	vor.u32 $0x39, v4  }
0x121: {  	v19 =	vld.idx.msk [tilespmem:v13+s14+$0x0], $0xffff;
	v20 =	vmul.f32 v20, v18  }
0x122: {  	v5 =	vadd.f32 v7, v5;
	v7 =	vmul.f32 v9, v16;
	v9 =	vld.idx.msk [tilespmem:v13+s15+$0x0], $0xffff;
	v13 =	vor.u32 $0x3A, v4  }
0x123: {  	v16 =	vld.idx.msk [tilespmem:v15+s14+$0x0], $0xffff;
	v20 =	vadd.f32 $2.000000030e-01, v20  }
0x124: {  	v5 =	vadd.f32 v7, v5;
	v7 =	vmul.f32 v8, v14;
	v14 =	vor.u32 $0x3B, v4;
	v8 =	vld.idx.msk [tilespmem:v15+s15+$0x0], $0xffff  }
0x125: {  	v21 =	vor.u32 $0x3C, v4;
	v15 =	vld.idx.msk [tilespmem:v12+s14+$0x0], $0xffff;
	v20 =	vmul.f32 v20, v18  }
0x126: {  	v6 =	vshrl.u32 v6, $0x17;
	v5 =	vadd.f32 v7, v5;
	v7 =	vmul.f32 v11, v17;
	v11 =	vld.idx.msk [tilespmem:v12+s15+$0x0], $0xffff  }
0x127: {  	v6 =	vand.u32 $0xFF, v6;
	v17 =	vor.u32 $0x3D, v4;
	v12 =	vld.idx.msk [tilespmem:v13+s14+$0x0], $0xffff;
	v20 =	vadd.f32 $3.333333430e-01, v20  }
0x128: {  	v5 =	vadd.f32 v7, v5;
	v7 =	vmul.f32 v9, v19;
	v9 =	vsel vm0, $0x1, v1;
	v13 =	vld.idx.msk [tilespmem:v13+s15+$0x0], $0xffff  }
0x129: {  	v22 =	vor.u32 $0x3E, v4;
	v6 =	vadd.s32 v9, v6;
	v19 =	vld.idx.msk [tilespmem:v14+s14+$0x0], $0xffff;
	v9 =	vmul.f32 v20, v18  }
0x12a: {  	v5 =	vadd.f32 v7, v5;
	v7 =	vmul.f32 v8, v16;
	v8 =	vadd.s32 $0xFFFFFF81, v6;
	v18 =	vld.idx.msk [tilespmem:v14+s15+$0x0], $0xffff  }
0x12b: {  	v10 =	vadd.f32 v10, v10;
	v8 =	vcvt.s32.f32 v8;
	v6 =	vld.idx.msk [tilespmem:v21+s14+$0x0], $0xffff;
	v14 =	vadd.f32 $1.000000000e+00, v9  }
0x12c: {  	v16 =	vor.u32 $0x3F, v4;
	v5 =	vadd.f32 v7, v5;
	v7 =	vmul.f32 v11, v15;
	v11 =	vld.idx.msk [tilespmem:v21+s15+$0x0], $0xffff  }
.Ltmp0:
0x12d: {  	v4 =	vmul.f32 $6.931471820e-01, v8;
	v9 =	vld.idx.msk [tilespmem:v17+s14+$0x0], $0xffff;
	v10 =	vmul.f32 v14, v10;
	(pc) =	sbr.rel @p0 .LBB2_2-.Ltmp0, $4  }
0x12e: {  	v14 =	vadd.f32 v7, v5;
	v13 =	vmul.f32 v13, v12;
	v12 =	vld.idx.msk [tilespmem:v17+s15+$0x0], $0xffff  }
0x12f: {  	v7 =	vshll.u32 v3, $0x3;
	v8 =	vld.idx.msk [tilespmem:v22+s14+$0x0], $0xffff;
	v5 =	vadd.f32 v10, v4  }
0x130: {  	v3 =	vor.u32 s22, v0;
	v14 =	vadd.f32 v13, v14;
	v15 =	vmul.f32 v18, v19;
	v13 =	vld.idx.msk [tilespmem:v22+s15+$0x0], $0xffff  }
0x131: {  	s22 =	sadd.s32 $0x10, s22;
	v4 =	vshll.u32 v3, $0x6;
	v10 =	vld.idx.msk [tilespmem:v16+s14+$0x0], $0xffff;
	v18 =	vadd.f32 $-4.605170250e+00, v5  }
0x132: {  	_ =	sdelay $0x1  }
0x133: {  	v19 =	vor.u32 $0x1, v4;
	_ =	sdelay $0x1  }
0x134: {  	v20 =	vor.u32 $0x2, v4;
	v21 =	vld.idx.msk [tilespmem:v4+s14+$0x0], $0xffff  }
0x135: {  	s21 =	sadd.s32 $0x10, s21;
	v22 =	vld.idx.msk [tilespmem:v4+s15+$0x0], $0xffff  }
0x136: {  	v23 =	vor.u32 $0x3, v4;
	v17 =	vld [tilespmem:s21+$0x0]  }
0x137: {  	v24 =	vld.idx.msk [tilespmem:v19+s14+$0x0], $0xffff  }
0x138: {  	v25 =	vor.u32 $0x4, v4;
	v19 =	vld.idx.msk [tilespmem:v19+s15+$0x0], $0xffff  }
0x139: {  	v26 =	vld.idx.msk [tilespmem:v20+s14+$0x0], $0xffff  }
0x13a: {  	v27 =	vor.u32 $0x5, v4;
	v20 =	vld.idx.msk [tilespmem:v20+s15+$0x0], $0xffff  }
0x13b: {  	v28 =	vld.idx.msk [tilespmem:v23+s14+$0x0], $0xffff  }
0x13c: {  	v48 =	vor.u32 $0x6, v4;
	v21 =	vmul.f32 v22, v21;
	v47 =	vld.idx.msk [tilespmem:v23+s15+$0x0], $0xffff  }
0x13d: {  	v29 =	vld.idx.msk [tilespmem:v25+s14+$0x0], $0xffff  }
0x13e: {  	v50 =	vor.u32 $0x7, v4;
	v49 =	vld.idx.msk [tilespmem:v25+s15+$0x0], $0xffff;
	v21 =	vadd.f32 $0.0e+00, v21;
	v19 =	vmul.f32 v19, v24  }
0x13f: {  	v30 =	vld.idx.msk [tilespmem:v27+s14+$0x0], $0xffff  }
0x140: {  	v51 =	vor.u32 $0x8, v4;
	v52 =	vld.idx.msk [tilespmem:v27+s15+$0x0], $0xffff;
	v20 =	vmul.f32 v20, v26;
	v19 =	vadd.f32 v19, v21  }
0x141: {  	v56 =	vor.u32 $0x9, v4;
	v53 =	vld.idx.msk [tilespmem:v48+s14+$0x0], $0xffff  }
0x142: {  	v55 =	vld.idx.msk [tilespmem:v48+s15+$0x0], $0xffff;
	v54 =	vmul.f32 v47, v28;
	v19 =	vadd.f32 v20, v19  }
0x143: {  	v57 =	vld.idx.msk [tilespmem:v50+s14+$0x0], $0xffff  }
0x144: {  	v60 =	vor.u32 $0xA, v4;
	v59 =	vld.idx.msk [tilespmem:v50+s15+$0x0], $0xffff;
	v58 =	vmul.f32 v49, v29;
	v19 =	vadd.f32 v54, v19  }
0x145: {  	v61 =	vld.idx.msk [tilespmem:v51+s14+$0x0], $0xffff  }
0x146: {  	v63 =	vor.u32 $0xB, v4;
	v33 =	vld.idx.msk [tilespmem:v56+s14+$0x0], $0xffff;
	v62 =	vmul.f32 v52, v30;
	v19 =	vadd.f32 v58, v19  }
0x147: {  	v21 =	vld.idx.msk [tilespmem:v51+s15+$0x0], $0xffff  }
0x148: {  	v36 =	vor.u32 $0xC, v4;
	v35 =	vld.idx.msk [tilespmem:v56+s15+$0x0], $0xffff;
	v34 =	vmul.f32 v55, v53;
	v19 =	vadd.f32 v62, v19  }
0x149: {  	v37 =	vld.idx.msk [tilespmem:v60+s14+$0x0], $0xffff  }
0x14a: {  	v40 =	vor.u32 $0xD, v4;
	v39 =	vld.idx.msk [tilespmem:v60+s15+$0x0], $0xffff;
	v38 =	vmul.f32 v59, v57;
	v19 =	vadd.f32 v34, v19  }
0x14b: {  	v44 =	vor.u32 $0xE, v4;
	v41 =	vld.idx.msk [tilespmem:v63+s14+$0x0], $0xffff  }
0x14c: {  	v43 =	vld.idx.msk [tilespmem:v63+s15+$0x0], $0xffff;
	v42 =	vmul.f32 v21, v61;
	v19 =	vadd.f32 v38, v19  }
0x14d: {  	v45 =	vld.idx.msk [tilespmem:v36+s14+$0x0], $0xffff  }
0x14e: {  	v48 =	vor.u32 $0xF, v4;
	v46 =	vmul.f32 v35, v33;
	v47 =	vld.idx.msk [tilespmem:v36+s15+$0x0], $0xffff;
	v19 =	vadd.f32 v42, v19  }
0x14f: {  	v49 =	vld.idx.msk [tilespmem:v40+s14+$0x0], $0xffff  }
0x150: {  	v56 =	vor.u32 $0x11, v4;
	v50 =	vmul.f32 v39, v37;
	v53 =	vld.idx.msk [tilespmem:v44+s14+$0x0], $0xffff;
	v19 =	vadd.f32 v46, v19  }
0x151: {  	v52 =	vor.u32 $0x10, v4;
	v51 =	vld.idx.msk [tilespmem:v40+s15+$0x0], $0xffff  }
0x152: {  	v55 =	vld.idx.msk [tilespmem:v44+s15+$0x0], $0xffff;
	v54 =	vmul.f32 v43, v41;
	v19 =	vadd.f32 v50, v19  }
0x153: {  	v60 =	vor.u32 $0x12, v4;
	v57 =	vld.idx.msk [tilespmem:v48+s14+$0x0], $0xffff  }
0x154: {  	v59 =	vld.idx.msk [tilespmem:v48+s15+$0x0], $0xffff;
	v58 =	vmul.f32 v47, v45;
	v19 =	vadd.f32 v54, v19  }
0x155: {  	v33 =	vor.u32 $0x13, v4;
	v36 =	vld.idx.msk [tilespmem:v56+s15+$0x0], $0xffff  }
0x156: {  	v63 =	vld.idx.msk [tilespmem:v52+s15+$0x0], $0xffff;
	v62 =	vmul.f32 v51, v49;
	v19 =	vadd.f32 v58, v19  }
0x157: {  	v37 =	vor.u32 $0x14, v4;
	v61 =	vld.idx.msk [tilespmem:v52+s14+$0x0], $0xffff  }
0x158: {  	v40 =	vld.idx.msk [tilespmem:v60+s15+$0x0], $0xffff;
	v35 =	vmul.f32 v55, v53;
	v19 =	vadd.f32 v62, v19  }
0x159: {  	v41 =	vor.u32 $0x15, v4;
	v34 =	vld.idx.msk [tilespmem:v56+s14+$0x0], $0xffff  }
0x15a: {  	v39 =	vmul.f32 v59, v57;
	v44 =	vld.idx.msk [tilespmem:v33+s15+$0x0], $0xffff;
	v19 =	vadd.f32 v35, v19  }
0x15b: {  	v45 =	vor.u32 $0x16, v4;
	v38 =	vld.idx.msk [tilespmem:v60+s14+$0x0], $0xffff  }
0x15c: {  	v48 =	vld.idx.msk [tilespmem:v37+s15+$0x0], $0xffff;
	v43 =	vmul.f32 v63, v61;
	v19 =	vadd.f32 v39, v19  }
0x15d: {  	v49 =	vor.u32 $0x17, v4;
	v42 =	vld.idx.msk [tilespmem:v33+s14+$0x0], $0xffff  }
0x15e: {  	v52 =	vld.idx.msk [tilespmem:v41+s15+$0x0], $0xffff;
	v47 =	vmul.f32 v36, v34;
	v19 =	vadd.f32 v43, v19  }
0x15f: {  	v53 =	vor.u32 $0x18, v4;
	v46 =	vld.idx.msk [tilespmem:v37+s14+$0x0], $0xffff  }
0x160: {  	v56 =	vld.idx.msk [tilespmem:v45+s15+$0x0], $0xffff;
	v51 =	vmul.f32 v40, v38;
	v19 =	vadd.f32 v47, v19  }
0x161: {  	v57 =	vor.u32 $0x19, v4;
	v50 =	vld.idx.msk [tilespmem:v41+s14+$0x0], $0xffff  }
0x162: {  	v60 =	vld.idx.msk [tilespmem:v49+s15+$0x0], $0xffff;
	v55 =	vmul.f32 v44, v42;
	v19 =	vadd.f32 v51, v19  }
0x163: {  	v61 =	vor.u32 $0x1A, v4;
	v54 =	vld.idx.msk [tilespmem:v45+s14+$0x0], $0xffff  }
0x164: {  	v33 =	vld.idx.msk [tilespmem:v53+s15+$0x0], $0xffff;
	v59 =	vmul.f32 v48, v46;
	v19 =	vadd.f32 v55, v19  }
0x165: {  	v34 =	vor.u32 $0x1B, v4;
	v58 =	vld.idx.msk [tilespmem:v49+s14+$0x0], $0xffff  }
0x166: {  	v37 =	vld.idx.msk [tilespmem:v57+s15+$0x0], $0xffff;
	v63 =	vmul.f32 v52, v50;
	v19 =	vadd.f32 v59, v19  }
0x167: {  	v38 =	vor.u32 $0x1C, v4;
	v62 =	vld.idx.msk [tilespmem:v53+s14+$0x0], $0xffff  }
0x168: {  	v41 =	vld.idx.msk [tilespmem:v61+s15+$0x0], $0xffff;
	v36 =	vmul.f32 v56, v54;
	v19 =	vadd.f32 v63, v19  }
0x169: {  	v42 =	vor.u32 $0x1D, v4;
	v35 =	vld.idx.msk [tilespmem:v57+s14+$0x0], $0xffff  }
0x16a: {  	v45 =	vld.idx.msk [tilespmem:v34+s15+$0x0], $0xffff;
	v40 =	vmul.f32 v60, v58;
	v19 =	vadd.f32 v36, v19  }
0x16b: {  	v46 =	vor.u32 $0x1E, v4;
	v39 =	vld.idx.msk [tilespmem:v61+s14+$0x0], $0xffff  }
0x16c: {  	v49 =	vld.idx.msk [tilespmem:v38+s15+$0x0], $0xffff;
	v44 =	vmul.f32 v33, v62;
	v19 =	vadd.f32 v40, v19  }
0x16d: {  	v50 =	vor.u32 $0x1F, v4;
	v43 =	vld.idx.msk [tilespmem:v34+s14+$0x0], $0xffff  }
0x16e: {  	v53 =	vld.idx.msk [tilespmem:v42+s15+$0x0], $0xffff;
	v48 =	vmul.f32 v37, v35;
	v19 =	vadd.f32 v44, v19  }
0x16f: {  	v54 =	vor.u32 $0x20, v4;
	v47 =	vld.idx.msk [tilespmem:v38+s14+$0x0], $0xffff  }
0x170: {  	v57 =	vld.idx.msk [tilespmem:v46+s15+$0x0], $0xffff;
	v52 =	vmul.f32 v41, v39;
	v19 =	vadd.f32 v48, v19  }
0x171: {  	v58 =	vor.u32 $0x21, v4;
	v51 =	vld.idx.msk [tilespmem:v42+s14+$0x0], $0xffff  }
0x172: {  	v61 =	vld.idx.msk [tilespmem:v50+s15+$0x0], $0xffff;
	v56 =	vmul.f32 v45, v43;
	v19 =	vadd.f32 v52, v19  }
0x173: {  	v62 =	vor.u32 $0x22, v4;
	v55 =	vld.idx.msk [tilespmem:v46+s14+$0x0], $0xffff  }
0x174: {  	v34 =	vld.idx.msk [tilespmem:v54+s15+$0x0], $0xffff;
	v60 =	vmul.f32 v49, v47;
	v19 =	vadd.f32 v56, v19  }
0x175: {  	v35 =	vor.u32 $0x23, v4;
	v59 =	vld.idx.msk [tilespmem:v50+s14+$0x0], $0xffff  }
0x176: {  	v38 =	vld.idx.msk [tilespmem:v58+s15+$0x0], $0xffff;
	v33 =	vmul.f32 v53, v51;
	v19 =	vadd.f32 v60, v19  }
0x177: {  	v39 =	vor.u32 $0x24, v4;
	v63 =	vld.idx.msk [tilespmem:v54+s14+$0x0], $0xffff  }
0x178: {  	v42 =	vld.idx.msk [tilespmem:v62+s15+$0x0], $0xffff;
	v37 =	vmul.f32 v57, v55;
	v19 =	vadd.f32 v33, v19  }
0x179: {  	v43 =	vor.u32 $0x25, v4;
	v36 =	vld.idx.msk [tilespmem:v58+s14+$0x0], $0xffff  }
0x17a: {  	v46 =	vld.idx.msk [tilespmem:v35+s15+$0x0], $0xffff;
	v41 =	vmul.f32 v61, v59;
	v19 =	vadd.f32 v37, v19  }
0x17b: {  	v47 =	vor.u32 $0x26, v4;
	v40 =	vld.idx.msk [tilespmem:v62+s14+$0x0], $0xffff  }
0x17c: {  	v50 =	vld.idx.msk [tilespmem:v39+s15+$0x0], $0xffff;
	v45 =	vmul.f32 v34, v63;
	v19 =	vadd.f32 v41, v19  }
0x17d: {  	v51 =	vor.u32 $0x27, v4;
	v44 =	vld.idx.msk [tilespmem:v35+s14+$0x0], $0xffff  }
0x17e: {  	v54 =	vld.idx.msk [tilespmem:v43+s15+$0x0], $0xffff;
	v49 =	vmul.f32 v38, v36;
	v19 =	vadd.f32 v45, v19  }
0x17f: {  	v55 =	vor.u32 $0x28, v4;
	v48 =	vld.idx.msk [tilespmem:v39+s14+$0x0], $0xffff  }
0x180: {  	v58 =	vld.idx.msk [tilespmem:v47+s15+$0x0], $0xffff;
	v53 =	vmul.f32 v42, v40;
	v19 =	vadd.f32 v49, v19  }
0x181: {  	v59 =	vor.u32 $0x29, v4;
	v52 =	vld.idx.msk [tilespmem:v43+s14+$0x0], $0xffff  }
0x182: {  	v62 =	vld.idx.msk [tilespmem:v51+s15+$0x0], $0xffff;
	v57 =	vmul.f32 v46, v44;
	v19 =	vadd.f32 v53, v19  }
0x183: {  	v63 =	vor.u32 $0x2A, v4;
	v56 =	vld.idx.msk [tilespmem:v47+s14+$0x0], $0xffff  }
0x184: {  	v35 =	vld.idx.msk [tilespmem:v55+s15+$0x0], $0xffff;
	v61 =	vmul.f32 v50, v48;
	v19 =	vadd.f32 v57, v19  }
0x185: {  	v36 =	vor.u32 $0x2B, v4;
	v60 =	vld.idx.msk [tilespmem:v51+s14+$0x0], $0xffff  }
0x186: {  	v39 =	vld.idx.msk [tilespmem:v59+s15+$0x0], $0xffff;
	v34 =	vmul.f32 v54, v52;
	v19 =	vadd.f32 v61, v19  }
0x187: {  	v33 =	vld.idx.msk [tilespmem:v55+s14+$0x0], $0xffff  }
0x188: {  	v40 =	vor.u32 $0x2C, v4;
	v23 =	vld.idx.msk [tilespmem:v63+s15+$0x0], $0xffff;
	v38 =	vmul.f32 v58, v56;
	v19 =	vadd.f32 v34, v19  }
0x189: {  	v43 =	vor.u32 $0x2D, v4;
	v37 =	vld.idx.msk [tilespmem:v59+s14+$0x0], $0xffff  }
0x18a: {  	v44 =	vld.idx.msk [tilespmem:v36+s14+$0x0], $0xffff;
	v47 =	vand.u32 $0x7FFFFF, v17;
	v42 =	vmul.f32 v62, v60;
	v19 =	vadd.f32 v38, v19  }
0x18b: {  	v18 =	vmul.f32 $7.500000000e-01, v18;
	v46 =	vor.u32 $0x2E, v4;
	v41 =	vld.idx.msk [tilespmem:v63+s14+$0x0], $0xffff;
	v49 =	vor.u32 $0x3F800000, v47  }
0x18c: {  	v25 =	vld.idx.msk [tilespmem:v36+s15+$0x0], $0xffff;
	v45 =	vmul.f32 v35, v33;
	v51 =	vmul.f32 $5.000000000e-01, v49;
	v19 =	vadd.f32 v42, v19  }
0x18d: {  	v18 =	vmul.f32 $1.442695020e+00, v18;
	v50 =	vor.u32 $0x2F, v4;
	v31 =	vld.idx.msk [tilespmem:v40+s14+$0x0], $0xffff;
	vm0 =	vgt.f32 v49, $1.414213540e+00  }
0x18e: {  	v26 =	vld.idx.msk [tilespmem:v40+s15+$0x0], $0xffff;
	v48 =	vmul.f32 v39, v37;
	v21 =	vsel vm0, v51, v49;
	v19 =	vadd.f32 v45, v19  }
0x18f: {  	v52 =	vld.idx.msk [tilespmem:v43+s14+$0x0], $0xffff;
	v62 =	vor.u32 $0x32, v4;
	v56 =	vadd.f32 $1.000000000e+00, v21  }
0x190: {  	(erf) = vpow2.f32 v18;
	v22 =	vld.idx.msk [tilespmem:v43+s15+$0x0], $0xffff;
	v23 =	vmul.f32 v23, v41;
	v19 =	vadd.f32 v48, v19  }
0x191: {  	v54 =	vld.idx.msk [tilespmem:v46+s14+$0x0], $0xffff;
	v53 =	vor.u32 $0x30, v4;
	(erf) = vrcp.f32 v56  }
0x192: {  	v24 =	vld.idx.msk [tilespmem:v46+s15+$0x0], $0xffff;
	v55 =	vmul.f32 v25, v44;
	v19 =	vadd.f32 v23, v19  }
0x193: {  	v59 =	vld.idx.msk [tilespmem:v50+s14+$0x0], $0xffff;
	v57 =	vor.u32 $0x31, v4  }
0x194: {  	v60 =	vmul.f32 v26, v31;
	v39 =	vld.idx.msk [tilespmem:v62+s14+$0x0], $0xffff;
	v58 =	vadd.f32 v55, v19  }
0x195: {  	v61 =	vld.idx.msk [tilespmem:v50+s15+$0x0], $0xffff  }
0x196: {  	v20 =	vmul.f32 v22, v52;
	v63 =	vld.idx.msk [tilespmem:v53+s14+$0x0], $0xffff;
	v34 =	vor.u32 $0x33, v4;
	v18 =	vadd.f32 v60, v58  }
0x197: {  	v33 =	vld.idx.msk [tilespmem:v53+s15+$0x0], $0xffff  }
0x198: {  	v36 =	vmul.f32 v24, v54;
	v35 =	vld.idx.msk [tilespmem:v57+s14+$0x0], $0xffff;
	v18 =	vadd.f32 v20, v18  }
0x199: {  	v22 =	vpop (erf);
	v21 =	vadd.f32 $-1.000000000e+00, v21;
	v37 =	vld.idx.msk [tilespmem:v57+s15+$0x0], $0xffff;
	v38 =	vor.u32 $0x34, v4  }
0x19a: {  	v40 =	vld.idx.msk [tilespmem:v62+s15+$0x0], $0xffff;
	v44 =	vpop (erf);
	v19 =	vmul.f32 v61, v59;
	v18 =	vadd.f32 v36, v18  }
0x19b: {  	v41 =	vor.u32 $0x35, v4;
	v42 =	vld.idx.msk [tilespmem:v34+s14+$0x0], $0xffff;
	v21 =	vmul.f32 v44, v21  }
0x19c: {  	v43 =	vmul.f32 v33, v63;
	v23 =	vld.idx.msk [tilespmem:v34+s15+$0x0], $0xffff;
	v18 =	vadd.f32 v19, v18  }
0x19d: {  	v16 =	vld.idx.msk [tilespmem:v16+s15+$0x0], $0xffff;
	v45 =	vor.u32 $0x36, v4;
	v47 =	vmul.f32 v21, v21  }
0x19e: {  	v24 =	vmul.f32 v37, v35;
	v46 =	vld.idx.msk [tilespmem:v38+s14+$0x0], $0xffff;
	v18 =	vadd.f32 v43, v18  }
0x19f: {  	v28 =	vld.idx.msk [tilespmem:v38+s15+$0x0], $0xffff;
	v48 =	vor.u32 $0x37, v4;
	v51 =	vmul.f32 $1.111111120e-01, v47  }
0x1a0: {  	v49 =	vld.idx.msk [tilespmem:v41+s14+$0x0], $0xffff;
	v20 =	vmul.f32 v40, v39;
	v18 =	vadd.f32 v24, v18  }
0x1a1: {  	v54 =	vor.u32 $0x38, v4;
	v25 =	vld.idx.msk [tilespmem:v41+s15+$0x0], $0xffff;
	v50 =	vmul.f32 v23, v42;
	v23 =	vadd.f32 $1.428571490e-01, v51  }
0x1a2: {  	v52 =	vld.idx.msk [tilespmem:v45+s14+$0x0], $0xffff;
	v18 =	vadd.f32 v20, v18  }
0x1a3: {  	v56 =	vor.u32 $0x39, v4;
	v23 =	vmul.f32 v23, v47;
	v19 =	vld.idx.msk [tilespmem:v45+s15+$0x0], $0xffff  }
0x1a4: {  	v53 =	vmul.f32 v28, v46;
	v55 =	vld.idx.msk [tilespmem:v48+s14+$0x0], $0xffff;
	v18 =	vadd.f32 v50, v18  }
0x1a5: {  	v57 =	vor.u32 $0x3A, v4;
	v29 =	vld.idx.msk [tilespmem:v48+s15+$0x0], $0xffff;
	v23 =	vadd.f32 $2.000000030e-01, v23  }
0x1a6: {  	v25 =	vmul.f32 v25, v49;
	v59 =	vld.idx.msk [tilespmem:v54+s15+$0x0], $0xffff;
	v18 =	vadd.f32 v53, v18  }
0x1a7: {  	v17 =	vshrl.u32 v17, $0x17;
	v58 =	vld.idx.msk [tilespmem:v54+s14+$0x0], $0xffff;
	v60 =	vor.u32 $0x3B, v4;
	v23 =	vmul.f32 v23, v47  }
0x1a8: {  	v17 =	vand.u32 $0xFF, v17;
	v61 =	vld.idx.msk [tilespmem:v56+s14+$0x0], $0xffff;
	v19 =	vmul.f32 v19, v52;
	v18 =	vadd.f32 v25, v18  }
0x1a9: {  	v62 =	vor.u32 $0x3C, v4;
	v63 =	vsel vm0, $0x1, v1;
	v23 =	vadd.f32 $3.333333430e-01, v23;
	v20 =	vld.idx.msk [tilespmem:v56+s15+$0x0], $0xffff  }
0x1aa: {  	v17 =	vadd.s32 v63, v17;
	v33 =	vld.idx.msk [tilespmem:v57+s14+$0x0], $0xffff;
	v28 =	vmul.f32 v29, v55;
	v18 =	vadd.f32 v19, v18  }
0x1ab: {  	v30 =	vld.idx.msk [tilespmem:v57+s15+$0x0], $0xffff;
	v17 =	vadd.s32 $0xFFFFFF81, v17;
	v34 =	vor.u32 $0x3D, v4;
	v23 =	vmul.f32 v23, v47  }
0x1ac: {  	v17 =	vcvt.s32.f32 v17;
	v35 =	vld.idx.msk [tilespmem:v60+s14+$0x0], $0xffff;
	v25 =	vmul.f32 v59, v58;
	v18 =	vadd.f32 v28, v18  }
0x1ad: {  	v21 =	vadd.f32 v21, v21;
	v36 =	vor.u32 $0x3E, v4;
	v27 =	vld.idx.msk [tilespmem:v60+s15+$0x0], $0xffff;
	v23 =	vadd.f32 $1.000000000e+00, v23  }
0x1ae: {  	v37 =	vld.idx.msk [tilespmem:v62+s14+$0x0], $0xffff;
	v19 =	vmul.f32 v20, v61;
	v18 =	vadd.f32 v25, v18  }
0x1af: {  	v38 =	vld.idx.msk [tilespmem:v62+s15+$0x0], $0xffff;
	v17 =	vmul.f32 $6.931471820e-01, v17;
	v39 =	vor.u32 $0x3F, v4;
	v21 =	vmul.f32 v23, v21  }
0x1b0: {  	v41 =	vld.idx.msk [tilespmem:v34+s14+$0x0], $0xffff;
	v40 =	vmul.f32 v30, v33;
	v18 =	vadd.f32 v19, v18  }
0x1b1: {  	v14 =	vadd.f32 v15, v14;
	v6 =	vmul.f32 v11, v6;
	v43 =	vld.idx.msk [tilespmem:v34+s15+$0x0], $0xffff;
	v42 =	vadd.f32 v21, v17  }
0x1b2: {  	v46 =	vld.idx.msk [tilespmem:v36+s14+$0x0], $0xffff;
	v45 =	vmul.f32 v27, v35;
	v44 =	vadd.f32 v40, v18  }
0x1b3: {  	v9 =	vmul.f32 v12, v9;
	v6 =	vadd.f32 v6, v14;
	v47 =	vld.idx.msk [tilespmem:v36+s15+$0x0], $0xffff;
	v48 =	vadd.f32 $-4.605170250e+00, v42  }
0x1b4: {  	v3 =	vshll.u32 v3, $0x3;
	v49 =	vmul.f32 v38, v37;
	v4 =	vld.idx.msk [tilespmem:v39+s15+$0x0], $0xffff;
	v17 =	vadd.f32 v45, v44  }
0x1b5: {  	v8 =	vmul.f32 v13, v8;
	v6 =	vadd.f32 v9, v6;
	v50 =	vld.idx.msk [tilespmem:v39+s14+$0x0], $0xffff;
	v51 =	vmul.f32 $7.500000000e-01, v48  }
0x1b6: {  	v53 =	vmul.f32 v43, v41;
	v52 =	vadd.f32 v49, v17  }
0x1b7: {  	v6 =	vadd.f32 v8, v6;
	v54 =	vld.idx.msk [tilespmem:v7+s16+$0x0], $0xffff;
	v55 =	vmul.f32 $1.442695020e+00, v51  }
0x1b8: {  	v57 =	vmul.f32 v16, v10;
	v56 =	vld.idx.msk [tilespmem:v7+s17+$0x0], $0xffff;
	v12 =	vmul.f32 v47, v46;
	v58 =	vadd.f32 v53, v52  }
0x1b9: {  	v59 =	vld.idx.msk [tilespmem:v3+s16+$0x0], $0xffff;
	(erf) = vpow2.f32 v55  }
0x1ba: {  	v6 =	vadd.f32 v57, v6;
	v4 =	vmul.f32 v4, v50;
	v60 =	vadd.f32 v12, v58  }
0x1bb: {  	v3 =	vld.idx.msk [tilespmem:v3+s17+$0x0], $0xffff  }
0x1bc: {  	v6 =	vadd.f32 v6, v54;
	v4 =	vadd.f32 v4, v60;
	_ =	sdelay $0x1  }
0x1bd: {  	v6 =	vadd.f32 v6, v56;
	v4 =	vadd.f32 v4, v59;
	_ =	sdelay $0x1  }
0x1be: {  	v5 =	vsub.f32 v6, v5;
	v3 =	vadd.f32 v4, v3  }
0x1bf: {  	v61 =	vmin.f32 v22, $1.000000000e+00  }
0x1c0: {  	v62 =	vpop (erf);
	v4 =	vmul.f32 v61, v5;
	v3 =	vsub.f32 v3, v42  }
0x1c1: {  	v6 =	vmin.f32 v62, $1.000000000e+00  }
0x1c2: {  	v4 =	vmul.f32 v4, v5;
	v63 =	vmul.f32 v6, v3;
	_ =	sdelay $0x1  }
0x1c3: {  	v2 =	vadd.f32 v4, v2;
	v3 =	vmul.f32 v63, v3;
	_ =	sdelay $0x1  }
0x1c4: {  	s20 =	sadd.s32 $0x1, s20;
	v2 =	vadd.f32 v3, v2  }
0x1c5: {  	p0 =	sne.s32 s20, s11  }
.Ltmp1:
0x1c6: {  	[tilespmem:$0x12600] =	vst v2;
	(pc) =	sbr.rel @p0 .LBB2_1-.Ltmp1, $4  }
0x1c7: {  	[hbm4b:s10+s2] =	stream.linear.scatter [tilespmem:s19], [sflag:$0x2], $0x10, $0x38;
	[tilespmem:$0x12610] =	vst v63  }
0x1c8: {  	_ =	swait.ge [sflag:s12], $0x10  }
0x1c9: {  	[sflag:s12] =	ssyncset.done $0x0  }
0x1ca: {  	[sflag:s12] =	ssyncadd.s32 $0xFFFFFFF0  }
0x1cb: {  	_ =	sfence.sel $0x180000  }
0x1cc: {  	[bflag:$0x0] =	sbarrier.arrive $0xFFFF  }
0x1cd: {  	p0 =	sne.s32 s1, $0x0;
	_ =	strace $0x90000047  }
0x1ce: {  	s0 =	sadd.s32 @!p0 $0x100000, s0;
	[bflag:$0x2] =	sbarrier.arrive $0xFFFF  }
0x1cf: {  	[sflag:s0] =	ssyncadd.tile.s32 @!p0 $0x1;
	_ =	shalt  }
.Lfunc_end2:
_tile_overlayer_lowered:
.L_overlay_start_2:
0x1d0: {  	(tag) =	ssettag $0x2  }
0x1d1: {  	s0 =	rddreg [dreg:$0x0];
	s2 =	stileid.u32  }
0x1d2: {  	s1 =	rddreg [dreg:$0x1];
	p0 =	sne.s32 s2, $0x0  }
0x1d3: {  	s3 =	rddreg [dreg:$0x2];
	[bflag:$0x3] =	sbarrier.arrive $0xFFFF;
	s2 =	simm.s32 @!p0 $0x1C02  }
0x1d4: {  	[timem:s3], [sflag:s2] =	dma.local @!p0 [hbm:s0], s1  }
0x1d5: {  	s0 =	simm.s32 @!p0 $0x2  }
0x1d6: {  	_ =	swait.ge @!p0 [sflag:s0], s1  }
0x1d7: {  	s1 =	ssub.s32 @!p0 $0x0, s1;
	[sflag:s0] =	ssyncset.done @!p0 $0x0  }
0x1d8: {  	[sflag:s0] =	ssyncadd.s32 @!p0 s1  }
0x1d9: {  	[bflag:$0x3] =	sbarrier.arrive $0xFFFF  }
0x1da: {  	_ =	shalt  }

</sc_bundles>
